<compile_context>
chip_gen: v7x
topology: tpu7x:2x2x1
jax: 0.10.2.dev20260603
libtpu: 0.0.44.dev20260713+nightly
codegen_flags: <defaults>
</compile_context>

<pallas_src>
import functools

import jax
import jax.numpy as jnp
from jax import lax
from jax.experimental import pallas as pl
from jax.experimental.pallas import tpu as pltpu
from jax.experimental.pallas import tpu_sc as plsc

N = 10000
E = 320000
F = 128
H = 4
DH = 32

NC = 2
NS = 16
NW = NC * NS
EW = E // NW
K = 80
CH = EW // K

NP = 10240
NPT = NP // NS
ND = NP // 8
NDT = ND // NS


def _mm_body(x_ref, w_ref, o_ref):
    o_ref[...] = jnp.dot(x_ref[...], w_ref[...],
                         preferred_element_type=jnp.float32)


def _project(feat, W):
    return pl.pallas_call(
        _mm_body,
        grid=(10,),
        in_specs=[
            pl.BlockSpec((N // 10, F), lambda i: (i, 0)),
            pl.BlockSpec((F, F), lambda i: (0, 0)),
        ],
        out_specs=pl.BlockSpec((N // 10, F), lambda i: (i, 0)),
        out_shape=jax.ShapeDtypeStruct((N, F), jnp.float32),
    )(feat, W)


def _sc_edges_body(ft_hbm, src_hbm, dst_hbm, num_out, den_out,
                   idx_s, idx_d, idx_d8, S, R, DR, accn, accd, sem):
    cid = lax.axis_index("c")
    sid = lax.axis_index("s")
    wid = cid * jnp.int32(NS) + sid
    zero16 = jnp.zeros((16,), jnp.float32)
    lane = lax.iota(jnp.int32, 16)
    inv = jnp.float32(1.0 / (DH ** 0.5))

    def zbody(i, r):
        for j in range(F // 16):
            R[r, pl.ds(16 * j, 16)] = zero16
            DR[r, pl.ds(16 * j, 16)] = zero16
        return r + jnp.int32(1)

    lax.fori_loop(jnp.int32(0), jnp.int32(K), zbody, jnp.int32(0))
    for t in range(NPT // K):
        off = sid * jnp.int32(NPT) + jnp.int32(t * K)
        pltpu.sync_copy(R, accn.at[pl.ds(off, K)])
    pltpu.sync_copy(DR, accd.at[pl.ds(sid * jnp.int32(NDT), NDT)])
    plsc.subcore_barrier()

    def chunk_body(i, base):
        b8 = pl.multiple_of(base, 8)
        pltpu.sync_copy(src_hbm.at[pl.ds(b8, K)], idx_s)
        pltpu.sync_copy(dst_hbm.at[pl.ds(b8, K)], idx_d)
        pltpu.async_copy(ft_hbm.at[idx_s], S, sem).wait()
        pltpu.async_copy(ft_hbm.at[idx_d], R, sem).wait()
        for kk in range(K // 16):
            idx_d8[pl.ds(16 * kk, 16)] = lax.shift_right_logical(
                idx_d[pl.ds(16 * kk, 16)], jnp.int32(3))

        def ebody(i2, e):
            s = [S[e, pl.ds(16 * j, 16)] for j in range(F // 16)]
            t = [R[e, pl.ds(16 * j, 16)] for j in range(F // 16)]
            dstv = plsc.load_gather(idx_d, [jnp.broadcast_to(e, (16,))])
            g8 = lax.bitwise_and(dstv, jnp.int32(7))
            ebcs = []
            for h in range(H):
                p = s[2 * h] * t[2 * h] + s[2 * h + 1] * t[2 * h + 1]
                a = jnp.sum(p) * inv
                ebc = jnp.exp(jnp.broadcast_to(a, (16,)))
                ebcs.append(ebc)
                R[e, pl.ds(32 * h, 16)] = s[2 * h] * ebc
                R[e, pl.ds(32 * h + 16, 16)] = s[2 * h + 1] * ebc
            dv = jnp.where(
                lane == 0, ebcs[0],
                jnp.where(lane == 1, ebcs[1],
                          jnp.where(lane == 2, ebcs[2],
                                    jnp.where(lane == 3, ebcs[3], zero16))))
            for g in range(8):
                DR[e, pl.ds(16 * g, 16)] = jnp.where(g8 == g, dv, zero16)
            return e + jnp.int32(1)

        lax.fori_loop(jnp.int32(0), jnp.int32(K), ebody, jnp.int32(0))
        pltpu.sync_copy(R, accn.at[idx_d], add=True)
        pltpu.sync_copy(DR, accd.at[idx_d8], add=True)
        return base + jnp.int32(K)

    lax.fori_loop(jnp.int32(0), jnp.int32(CH), chunk_body, wid * jnp.int32(EW))
    plsc.subcore_barrier()

    b = sid * jnp.int32(NPT)
    pltpu.sync_copy(accn.at[pl.ds(b, NPT)], num_out.at[cid, pl.ds(b, NPT)])
    bd = sid * jnp.int32(NDT)
    pltpu.sync_copy(accd.at[pl.ds(bd, NDT)], den_out.at[cid, pl.ds(bd, NDT)])


@functools.partial(
    pl.kernel,
    out_type=[
        jax.ShapeDtypeStruct((NC, NP, F), jnp.float32),
        jax.ShapeDtypeStruct((NC, ND, F), jnp.float32),
    ],
    mesh=plsc.VectorSubcoreMesh(core_axis_name="c", subcore_axis_name="s"),
    compiler_params=pltpu.CompilerParams(needs_layout_passes=False),
    scratch_types=[
        pltpu.VMEM((K,), jnp.int32),
        pltpu.VMEM((K,), jnp.int32),
        pltpu.VMEM((K,), jnp.int32),
        pltpu.VMEM((K, F), jnp.float32),
        pltpu.VMEM((K, F), jnp.float32),
        pltpu.VMEM((K, F), jnp.float32),
        pltpu.VMEM_SHARED((NP, F), jnp.float32),
        pltpu.VMEM_SHARED((ND, F), jnp.float32),
        pltpu.SemaphoreType.DMA,
    ],
)
def _sc_edges(ft_hbm, src_hbm, dst_hbm, num_out, den_out, *rest):
    _sc_edges_body(ft_hbm, src_hbm, dst_hbm, num_out, den_out, *rest)


def _fin_body(np_ref, dp_ref, o_ref):
    n = np_ref[0] + np_ref[1]
    d = dp_ref[0] + dp_ref[1]
    bn = NP // 10
    ri = lax.broadcasted_iota(jnp.int32, (bn, ND // 10), 0)
    ci = lax.broadcasted_iota(jnp.int32, (bn, ND // 10), 1)
    rj = lax.broadcasted_iota(jnp.int32, (F, F), 0)
    cj = lax.broadcasted_iota(jnp.int32, (F, F), 1)
    db = jnp.zeros((bn, F), jnp.float32)
    for g in range(8):
        Eg = (ri == 8 * ci + g).astype(jnp.float32)
        Pg = (rj == 16 * g + cj // DH).astype(jnp.float32)
        dPg = jnp.dot(d, Pg, preferred_element_type=jnp.float32)
        db = db + jnp.dot(Eg, dPg, preferred_element_type=jnp.float32)
    o_ref[...] = n / jnp.where(db > 0, db, 1.0)


def _finalize(nump, denp):
    return pl.pallas_call(
        _fin_body,
        grid=(10,),
        in_specs=[
            pl.BlockSpec((NC, NP // 10, F), lambda i: (0, i, 0)),
            pl.BlockSpec((NC, ND // 10, F), lambda i: (0, i, 0)),
        ],
        out_specs=pl.BlockSpec((NP // 10, F), lambda i: (i, 0)),
        out_shape=jax.ShapeDtypeStruct((NP, F), jnp.float32),
    )(nump, denp)


def kernel(feat, edge_index, W):
    with jax.enable_x64(False):
        src = edge_index[0].astype(jnp.int32)
        dst = edge_index[1].astype(jnp.int32)
        W32 = W.astype(jnp.float32)
        ft = _project(feat, W32)
        nump, denp = _sc_edges(ft, src, dst)
        out = _finalize(nump, denp)
        return out[:N].reshape(N, H, DH)

# --- scband reference (transcript-rebuilt; emitter-appended) ---
"""Pipeline reference for scband-dot-gat-conv-24739011625576 (READ-ONLY COPY).

The authoritative reference and input builder live on the scoring server;
editing this copy changes nothing except your own understanding.
"""

import jax
jax.config.update('jax_enable_x64', True)
import jax.numpy as jnp
import numpy as np

N = 10000
E = 320000
D_IN = 128
H = 4
D = 32


def setup_inputs(seed: int = 0) -> dict:
    key = jax.random.key(seed)
    k1, k2, k3 = jax.random.split(key, 3)
    feat = jax.random.normal(k1, (N, D_IN), dtype=jnp.float32)
    edge_index = jax.random.randint(k2, (2, E), 0, N, dtype=jnp.int64)
    # fc weight: Linear(in_feats=128, out=H*D=128, bias=False); stored as [in, out]
    W = jax.random.normal(k3, (D_IN, H * D), dtype=jnp.float32) * (1.0 / np.sqrt(D_IN))
    return {"feat": feat, "edge_index": edge_index, "W": W}


def reference(feat, edge_index, W):
    src = edge_index[0]
    dst = edge_index[1]
    n = feat.shape[0]
    # feat_src = feat_dst = fc(feat).view(-1, H, D)
    ft = (feat @ W).reshape(n, H, D)
    ft_src = ft[src]  # [E, H, D] gather
    ft_dst = ft[dst]  # [E, H, D] gather
    # u_dot_v -> a; scale by 1/sqrt(out_feats)
    a = jnp.sum(ft_src * ft_dst, axis=-1) / jnp.sqrt(jnp.asarray(D, dtype=feat.dtype))  # [E, H]
    # edge_softmax normalized by dst
    m = jnp.full((n, H), -jnp.inf, dtype=a.dtype).at[dst].max(a)
    m = jax.lax.stop_gradient(m)
    ea = jnp.exp(a - m[dst])
    s = jnp.zeros((n, H), dtype=a.dtype).at[dst].add(ea)
    s_safe = jnp.where(s > 0, s, jnp.ones_like(s))
    sa = ea / s_safe[dst]  # [E, H]
    # update_all: u_mul_e('ft','sa') then sum over incoming edges at dst
    rst = jnp.zeros((n, H, D), dtype=feat.dtype).at[dst].add(sa[:, :, None] * ft_src)
    return rst

if __name__ == "__main__":
    import jax
    _d = setup_inputs()
    print(jax.jit(kernel)(*tuple(_d.values())))

</pallas_src>

<mosaic_0001>
#map = affine_map<(d0, d1) -> (0, 0)>
#map1 = affine_map<(d0, d1) -> (0)>
#map2 = affine_map<(d0, d1) -> (0, 0, 0)>
module attributes {stable_mosaic.version = 14 : i64} {
  func.func @_sc_edges(%arg0: i32, %arg1: i32, %arg2: memref<10000x128xf32, #tpu.memory_space<hbm>>, %arg3: memref<320000xi32, #tpu.memory_space<hbm>>, %arg4: memref<320000xi32, #tpu.memory_space<hbm>>, %arg5: memref<2x10240x128xf32, #tpu.memory_space<hbm>>, %arg6: memref<2x1280x128xf32, #tpu.memory_space<hbm>>, %arg7: memref<80xi32, #tpu.memory_space<vmem>>, %arg8: memref<80xi32, #tpu.memory_space<vmem>>, %arg9: memref<80xi32, #tpu.memory_space<vmem>>, %arg10: memref<80x128xf32, #tpu.memory_space<vmem>>, %arg11: memref<80x128xf32, #tpu.memory_space<vmem>>, %arg12: memref<80x128xf32, #tpu.memory_space<vmem>>, %arg13: memref<10240x128xf32, #tpu.memory_space<vmem_shared>>, %arg14: memref<1280x128xf32, #tpu.memory_space<vmem_shared>>, %arg15: memref<!tpu.dma_semaphore, #tpu.memory_space<semaphore_mem>>) attributes {dimension_semantics = [#tpu.dimension_semantics<core_parallel>, #tpu.dimension_semantics<subcore_parallel>], iteration_bounds = array<i64: 2, 16>, scalar_prefetch = 0 : i64, scratch_operands = 9 : i64, tpu.core_type = #tpu.core_type<sc_vector_subcore>, window_params = [{transform_indices = #map}, {transform_indices = #map1}, {transform_indices = #map1}, {transform_indices = #map2}, {transform_indices = #map2}]} {
    %mul3A = arith.constant 16 : i32
    %mul3A_0 = arith.muli %arg0, %mul3A : i32
    %add3A = arith.addi %mul3A_0, %arg1 : i32
    %broadcast_in_dim3A = arith.constant 0.000000e+00 : f32
    %broadcast_in_dim3A_1 = vector.broadcast %broadcast_in_dim3A : f32 to vector<16xf32>
    %iota3A = tpu.iota {dimensions = array<i32: 0>} : vector<16xi32>
    %while3A = arith.constant 0 : i32
    %while3A_2 = arith.constant 80 : i32
    %while3A_3 = arith.constant 0 : i32
    %while3A_4 = arith.subi %while3A_2, %while3A : i32
    %while3A_5 = arith.addi %while3A, %while3A_4 : i32
    %while3A_6 = arith.constant 1 : i32
    %while3A_7 = arith.divsi %while3A_4, %while3A_6 : i32
    %while3A_8 = arith.muli %while3A_7, %while3A_6 : i32
    %while3A_9 = arith.addi %while3A, %while3A_8 : i32
    %while3A_10 = arith.constant 1 : i32
    %while3A_11 = scf.for %while3A_68 = %while3A to %while3A_9 step %while3A_10 iter_args(%while3A_69 = %while3A_3) -> (i32)  : i32 {
      %swap3A = arith.index_cast %while3A_69 : i32 to index
      %swap3A_70 = arith.constant 0 : index
      %swap3A_71 = tpu.vector_load %arg11[%swap3A, %swap3A_70] {strides = array<i32>} : memref<80x128xf32, #tpu.memory_space<vmem>>, vector<16xf32>,
      tpu.vector_store %arg11[%swap3A, %swap3A_70], %broadcast_in_dim3A_1 {strides = array<i32>} : memref<80x128xf32, #tpu.memory_space<vmem>>, vector<16xf32>,
      %swap3A_72 = arith.index_cast %while3A_69 : i32 to index
      %swap3A_73 = arith.constant 0 : index
      %swap3A_74 = tpu.vector_load %arg12[%swap3A_72, %swap3A_73] {strides = array<i32>} : memref<80x128xf32, #tpu.memory_space<vmem>>, vector<16xf32>,
      tpu.vector_store %arg12[%swap3A_72, %swap3A_73], %broadcast_in_dim3A_1 {strides = array<i32>} : memref<80x128xf32, #tpu.memory_space<vmem>>, vector<16xf32>,
      %swap3A_75 = arith.index_cast %while3A_69 : i32 to index
      %swap3A_76 = arith.constant 16 : index
      %swap3A_77 = tpu.vector_load %arg11[%swap3A_75, %swap3A_76] {strides = array<i32>} : memref<80x128xf32, #tpu.memory_space<vmem>>, vector<16xf32>,
      tpu.vector_store %arg11[%swap3A_75, %swap3A_76], %broadcast_in_dim3A_1 {strides = array<i32>} : memref<80x128xf32, #tpu.memory_space<vmem>>, vector<16xf32>,
      %swap3A_78 = arith.index_cast %while3A_69 : i32 to index
      %swap3A_79 = arith.constant 16 : index
      %swap3A_80 = tpu.vector_load %arg12[%swap3A_78, %swap3A_79] {strides = array<i32>} : memref<80x128xf32, #tpu.memory_space<vmem>>, vector<16xf32>,
      tpu.vector_store %arg12[%swap3A_78, %swap3A_79], %broadcast_in_dim3A_1 {strides = array<i32>} : memref<80x128xf32, #tpu.memory_space<vmem>>, vector<16xf32>,
      %swap3A_81 = arith.index_cast %while3A_69 : i32 to index
      %swap3A_82 = arith.constant 32 : index
      %swap3A_83 = tpu.vector_load %arg11[%swap3A_81, %swap3A_82] {strides = array<i32>} : memref<80x128xf32, #tpu.memory_space<vmem>>, vector<16xf32>,
      tpu.vector_store %arg11[%swap3A_81, %swap3A_82], %broadcast_in_dim3A_1 {strides = array<i32>} : memref<80x128xf32, #tpu.memory_space<vmem>>, vector<16xf32>,
      %swap3A_84 = arith.index_cast %while3A_69 : i32 to index
      %swap3A_85 = arith.constant 32 : index
      %swap3A_86 = tpu.vector_load %arg12[%swap3A_84, %swap3A_85] {strides = array<i32>} : memref<80x128xf32, #tpu.memory_space<vmem>>, vector<16xf32>,
      tpu.vector_store %arg12[%swap3A_84, %swap3A_85], %broadcast_in_dim3A_1 {strides = array<i32>} : memref<80x128xf32, #tpu.memory_space<vmem>>, vector<16xf32>,
      %swap3A_87 = arith.index_cast %while3A_69 : i32 to index
      %swap3A_88 = arith.constant 48 : index
      %swap3A_89 = tpu.vector_load %arg11[%swap3A_87, %swap3A_88] {strides = array<i32>} : memref<80x128xf32, #tpu.memory_space<vmem>>, vector<16xf32>,
      tpu.vector_store %arg11[%swap3A_87, %swap3A_88], %broadcast_in_dim3A_1 {strides = array<i32>} : memref<80x128xf32, #tpu.memory_space<vmem>>, vector<16xf32>,
      %swap3A_90 = arith.index_cast %while3A_69 : i32 to index
      %swap3A_91 = arith.constant 48 : index
      %swap3A_92 = tpu.vector_load %arg12[%swap3A_90, %swap3A_91] {strides = array<i32>} : memref<80x128xf32, #tpu.memory_space<vmem>>, vector<16xf32>,
      tpu.vector_store %arg12[%swap3A_90, %swap3A_91], %broadcast_in_dim3A_1 {strides = array<i32>} : memref<80x128xf32, #tpu.memory_space<vmem>>, vector<16xf32>,
      %swap3A_93 = arith.index_cast %while3A_69 : i32 to index
      %swap3A_94 = arith.constant 64 : index
      %swap3A_95 = tpu.vector_load %arg11[%swap3A_93, %swap3A_94] {strides = array<i32>} : memref<80x128xf32, #tpu.memory_space<vmem>>, vector<16xf32>,
      tpu.vector_store %arg11[%swap3A_93, %swap3A_94], %broadcast_in_dim3A_1 {strides = array<i32>} : memref<80x128xf32, #tpu.memory_space<vmem>>, vector<16xf32>,
      %swap3A_96 = arith.index_cast %while3A_69 : i32 to index
      %swap3A_97 = arith.constant 64 : index
      %swap3A_98 = tpu.vector_load %arg12[%swap3A_96, %swap3A_97] {strides = array<i32>} : memref<80x128xf32, #tpu.memory_space<vmem>>, vector<16xf32>,
      tpu.vector_store %arg12[%swap3A_96, %swap3A_97], %broadcast_in_dim3A_1 {strides = array<i32>} : memref<80x128xf32, #tpu.memory_space<vmem>>, vector<16xf32>,
      %swap3A_99 = arith.index_cast %while3A_69 : i32 to index
      %swap3A_100 = arith.constant 80 : index
      %swap3A_101 = tpu.vector_load %arg11[%swap3A_99, %swap3A_100] {strides = array<i32>} : memref<80x128xf32, #tpu.memory_space<vmem>>, vector<16xf32>,
      tpu.vector_store %arg11[%swap3A_99, %swap3A_100], %broadcast_in_dim3A_1 {strides = array<i32>} : memref<80x128xf32, #tpu.memory_space<vmem>>, vector<16xf32>,
      %swap3A_102 = arith.index_cast %while3A_69 : i32 to index
      %swap3A_103 = arith.constant 80 : index
      %swap3A_104 = tpu.vector_load %arg12[%swap3A_102, %swap3A_103] {strides = array<i32>} : memref<80x128xf32, #tpu.memory_space<vmem>>, vector<16xf32>,
      tpu.vector_store %arg12[%swap3A_102, %swap3A_103], %broadcast_in_dim3A_1 {strides = array<i32>} : memref<80x128xf32, #tpu.memory_space<vmem>>, vector<16xf32>,
      %swap3A_105 = arith.index_cast %while3A_69 : i32 to index
      %swap3A_106 = arith.constant 96 : index
      %swap3A_107 = tpu.vector_load %arg11[%swap3A_105, %swap3A_106] {strides = array<i32>} : memref<80x128xf32, #tpu.memory_space<vmem>>, vector<16xf32>,
      tpu.vector_store %arg11[%swap3A_105, %swap3A_106], %broadcast_in_dim3A_1 {strides = array<i32>} : memref<80x128xf32, #tpu.memory_space<vmem>>, vector<16xf32>,
      %swap3A_108 = arith.index_cast %while3A_69 : i32 to index
      %swap3A_109 = arith.constant 96 : index
      %swap3A_110 = tpu.vector_load %arg12[%swap3A_108, %swap3A_109] {strides = array<i32>} : memref<80x128xf32, #tpu.memory_space<vmem>>, vector<16xf32>,
      tpu.vector_store %arg12[%swap3A_108, %swap3A_109], %broadcast_in_dim3A_1 {strides = array<i32>} : memref<80x128xf32, #tpu.memory_space<vmem>>, vector<16xf32>,
      %swap3A_111 = arith.index_cast %while3A_69 : i32 to index
      %swap3A_112 = arith.constant 112 : index
      %swap3A_113 = tpu.vector_load %arg11[%swap3A_111, %swap3A_112] {strides = array<i32>} : memref<80x128xf32, #tpu.memory_space<vmem>>, vector<16xf32>,
      tpu.vector_store %arg11[%swap3A_111, %swap3A_112], %broadcast_in_dim3A_1 {strides = array<i32>} : memref<80x128xf32, #tpu.memory_space<vmem>>, vector<16xf32>,
      %swap3A_114 = arith.index_cast %while3A_69 : i32 to index
      %swap3A_115 = arith.constant 112 : index
      %swap3A_116 = tpu.vector_load %arg12[%swap3A_114, %swap3A_115] {strides = array<i32>} : memref<80x128xf32, #tpu.memory_space<vmem>>, vector<16xf32>,
      tpu.vector_store %arg12[%swap3A_114, %swap3A_115], %broadcast_in_dim3A_1 {strides = array<i32>} : memref<80x128xf32, #tpu.memory_space<vmem>>, vector<16xf32>,
      %add3A_117 = arith.constant 1 : i32
      %add3A_118 = arith.addi %while3A_69, %add3A_117 : i32
      scf.yield %add3A_118 : i32
    }
    %while3A_12 = arith.constant 1 : i32
    %while3A_13 = scf.for %while3A_68 = %while3A_9 to %while3A_5 step %while3A_12 iter_args(%while3A_69 = %while3A_11) -> (i32)  : i32 {
      %swap3A = arith.index_cast %while3A_69 : i32 to index
      %swap3A_70 = arith.constant 0 : index
      %swap3A_71 = tpu.vector_load %arg11[%swap3A, %swap3A_70] {strides = array<i32>} : memref<80x128xf32, #tpu.memory_space<vmem>>, vector<16xf32>,
      tpu.vector_store %arg11[%swap3A, %swap3A_70], %broadcast_in_dim3A_1 {strides = array<i32>} : memref<80x128xf32, #tpu.memory_space<vmem>>, vector<16xf32>,
      %swap3A_72 = arith.index_cast %while3A_69 : i32 to index
      %swap3A_73 = arith.constant 0 : index
      %swap3A_74 = tpu.vector_load %arg12[%swap3A_72, %swap3A_73] {strides = array<i32>} : memref<80x128xf32, #tpu.memory_space<vmem>>, vector<16xf32>,
      tpu.vector_store %arg12[%swap3A_72, %swap3A_73], %broadcast_in_dim3A_1 {strides = array<i32>} : memref<80x128xf32, #tpu.memory_space<vmem>>, vector<16xf32>,
      %swap3A_75 = arith.index_cast %while3A_69 : i32 to index
      %swap3A_76 = arith.constant 16 : index
      %swap3A_77 = tpu.vector_load %arg11[%swap3A_75, %swap3A_76] {strides = array<i32>} : memref<80x128xf32, #tpu.memory_space<vmem>>, vector<16xf32>,
      tpu.vector_store %arg11[%swap3A_75, %swap3A_76], %broadcast_in_dim3A_1 {strides = array<i32>} : memref<80x128xf32, #tpu.memory_space<vmem>>, vector<16xf32>,
      %swap3A_78 = arith.index_cast %while3A_69 : i32 to index
      %swap3A_79 = arith.constant 16 : index
      %swap3A_80 = tpu.vector_load %arg12[%swap3A_78, %swap3A_79] {strides = array<i32>} : memref<80x128xf32, #tpu.memory_space<vmem>>, vector<16xf32>,
      tpu.vector_store %arg12[%swap3A_78, %swap3A_79], %broadcast_in_dim3A_1 {strides = array<i32>} : memref<80x128xf32, #tpu.memory_space<vmem>>, vector<16xf32>,
      %swap3A_81 = arith.index_cast %while3A_69 : i32 to index
      %swap3A_82 = arith.constant 32 : index
      %swap3A_83 = tpu.vector_load %arg11[%swap3A_81, %swap3A_82] {strides = array<i32>} : memref<80x128xf32, #tpu.memory_space<vmem>>, vector<16xf32>,
      tpu.vector_store %arg11[%swap3A_81, %swap3A_82], %broadcast_in_dim3A_1 {strides = array<i32>} : memref<80x128xf32, #tpu.memory_space<vmem>>, vector<16xf32>,
      %swap3A_84 = arith.index_cast %while3A_69 : i32 to index
      %swap3A_85 = arith.constant 32 : index
      %swap3A_86 = tpu.vector_load %arg12[%swap3A_84, %swap3A_85] {strides = array<i32>} : memref<80x128xf32, #tpu.memory_space<vmem>>, vector<16xf32>,
      tpu.vector_store %arg12[%swap3A_84, %swap3A_85], %broadcast_in_dim3A_1 {strides = array<i32>} : memref<80x128xf32, #tpu.memory_space<vmem>>, vector<16xf32>,
      %swap3A_87 = arith.index_cast %while3A_69 : i32 to index
      %swap3A_88 = arith.constant 48 : index
      %swap3A_89 = tpu.vector_load %arg11[%swap3A_87, %swap3A_88] {strides = array<i32>} : memref<80x128xf32, #tpu.memory_space<vmem>>, vector<16xf32>,
      tpu.vector_store %arg11[%swap3A_87, %swap3A_88], %broadcast_in_dim3A_1 {strides = array<i32>} : memref<80x128xf32, #tpu.memory_space<vmem>>, vector<16xf32>,
      %swap3A_90 = arith.index_cast %while3A_69 : i32 to index
      %swap3A_91 = arith.constant 48 : index
      %swap3A_92 = tpu.vector_load %arg12[%swap3A_90, %swap3A_91] {strides = array<i32>} : memref<80x128xf32, #tpu.memory_space<vmem>>, vector<16xf32>,
      tpu.vector_store %arg12[%swap3A_90, %swap3A_91], %broadcast_in_dim3A_1 {strides = array<i32>} : memref<80x128xf32, #tpu.memory_space<vmem>>, vector<16xf32>,
      %swap3A_93 = arith.index_cast %while3A_69 : i32 to index
      %swap3A_94 = arith.constant 64 : index
      %swap3A_95 = tpu.vector_load %arg11[%swap3A_93, %swap3A_94] {strides = array<i32>} : memref<80x128xf32, #tpu.memory_space<vmem>>, vector<16xf32>,
      tpu.vector_store %arg11[%swap3A_93, %swap3A_94], %broadcast_in_dim3A_1 {strides = array<i32>} : memref<80x128xf32, #tpu.memory_space<vmem>>, vector<16xf32>,
      %swap3A_96 = arith.index_cast %while3A_69 : i32 to index
      %swap3A_97 = arith.constant 64 : index
      %swap3A_98 = tpu.vector_load %arg12[%swap3A_96, %swap3A_97] {strides = array<i32>} : memref<80x128xf32, #tpu.memory_space<vmem>>, vector<16xf32>,
      tpu.vector_store %arg12[%swap3A_96, %swap3A_97], %broadcast_in_dim3A_1 {strides = array<i32>} : memref<80x128xf32, #tpu.memory_space<vmem>>, vector<16xf32>,
      %swap3A_99 = arith.index_cast %while3A_69 : i32 to index
      %swap3A_100 = arith.constant 80 : index
      %swap3A_101 = tpu.vector_load %arg11[%swap3A_99, %swap3A_100] {strides = array<i32>} : memref<80x128xf32, #tpu.memory_space<vmem>>, vector<16xf32>,
      tpu.vector_store %arg11[%swap3A_99, %swap3A_100], %broadcast_in_dim3A_1 {strides = array<i32>} : memref<80x128xf32, #tpu.memory_space<vmem>>, vector<16xf32>,
      %swap3A_102 = arith.index_cast %while3A_69 : i32 to index
      %swap3A_103 = arith.constant 80 : index
      %swap3A_104 = tpu.vector_load %arg12[%swap3A_102, %swap3A_103] {strides = array<i32>} : memref<80x128xf32, #tpu.memory_space<vmem>>, vector<16xf32>,
      tpu.vector_store %arg12[%swap3A_102, %swap3A_103], %broadcast_in_dim3A_1 {strides = array<i32>} : memref<80x128xf32, #tpu.memory_space<vmem>>, vector<16xf32>,
      %swap3A_105 = arith.index_cast %while3A_69 : i32 to index
      %swap3A_106 = arith.constant 96 : index
      %swap3A_107 = tpu.vector_load %arg11[%swap3A_105, %swap3A_106] {strides = array<i32>} : memref<80x128xf32, #tpu.memory_space<vmem>>, vector<16xf32>,
      tpu.vector_store %arg11[%swap3A_105, %swap3A_106], %broadcast_in_dim3A_1 {strides = array<i32>} : memref<80x128xf32, #tpu.memory_space<vmem>>, vector<16xf32>,
      %swap3A_108 = arith.index_cast %while3A_69 : i32 to index
      %swap3A_109 = arith.constant 96 : index
      %swap3A_110 = tpu.vector_load %arg12[%swap3A_108, %swap3A_109] {strides = array<i32>} : memref<80x128xf32, #tpu.memory_space<vmem>>, vector<16xf32>,
      tpu.vector_store %arg12[%swap3A_108, %swap3A_109], %broadcast_in_dim3A_1 {strides = array<i32>} : memref<80x128xf32, #tpu.memory_space<vmem>>, vector<16xf32>,
      %swap3A_111 = arith.index_cast %while3A_69 : i32 to index
      %swap3A_112 = arith.constant 112 : index
      %swap3A_113 = tpu.vector_load %arg11[%swap3A_111, %swap3A_112] {strides = array<i32>} : memref<80x128xf32, #tpu.memory_space<vmem>>, vector<16xf32>,
      tpu.vector_store %arg11[%swap3A_111, %swap3A_112], %broadcast_in_dim3A_1 {strides = array<i32>} : memref<80x128xf32, #tpu.memory_space<vmem>>, vector<16xf32>,
      %swap3A_114 = arith.index_cast %while3A_69 : i32 to index
      %swap3A_115 = arith.constant 112 : index
      %swap3A_116 = tpu.vector_load %arg12[%swap3A_114, %swap3A_115] {strides = array<i32>} : memref<80x128xf32, #tpu.memory_space<vmem>>, vector<16xf32>,
      tpu.vector_store %arg12[%swap3A_114, %swap3A_115], %broadcast_in_dim3A_1 {strides = array<i32>} : memref<80x128xf32, #tpu.memory_space<vmem>>, vector<16xf32>,
      %add3A_117 = arith.constant 1 : i32
      %add3A_118 = arith.addi %while3A_69, %add3A_117 : i32
      scf.yield %add3A_118 : i32
    }
    %mul3A_14 = arith.constant 640 : i32
    %mul3A_15 = arith.muli %arg1, %mul3A_14 : i32
    %add3A_16 = arith.constant 0 : i32
    %add3A_17 = arith.addi %mul3A_15, %add3A_16 : i32
    "tpu.region"() ({
      %run_scoped3A = tpu.sem_alloc : memref<!tpu.dma_semaphore, #tpu.memory_space<semaphore_mem>>
      %dma_start3A = arith.constant 0 : i32
      %dma_start3A_68 = tpu.memref_slice %arg13[%add3A_17, %dma_start3A] : memref<10240x128xf32, #tpu.memory_space<vmem_shared>> -> memref<80x128xf32, #tpu.memory_space<vmem_shared>>
      %dma_start3A_69 = arith.constant 0 : i32
      %dma_start3A_70 = tpu.memref_slice %arg13[%add3A_17, %dma_start3A_69] : memref<10240x128xf32, #tpu.memory_space<vmem_shared>> -> memref<80x128xf32, #tpu.memory_space<vmem_shared>>
      tpu.enqueue_dma source(%arg11 : memref<80x128xf32, #tpu.memory_space<vmem>>) target(%dma_start3A_70 : memref<80x128xf32, #tpu.memory_space<vmem_shared>>) target_semaphore(%run_scoped3A : memref<!tpu.dma_semaphore, #tpu.memory_space<semaphore_mem>>)
      %dma_wait3A = arith.constant 0 : i32
      %dma_wait3A_71 = tpu.memref_slice %arg13[%add3A_17, %dma_wait3A] : memref<10240x128xf32, #tpu.memory_space<vmem_shared>> -> memref<80x128xf32, #tpu.memory_space<vmem_shared>>
      %dma_wait3A_72 = arith.constant 0 : i32
      %dma_wait3A_73 = tpu.memref_slice %arg13[%add3A_17, %dma_wait3A_72] : memref<10240x128xf32, #tpu.memory_space<vmem_shared>> -> memref<80x128xf32, #tpu.memory_space<vmem_shared>>
      tpu.wait_dma2 semaphore(%run_scoped3A : memref<!tpu.dma_semaphore, #tpu.memory_space<semaphore_mem>>) src(%arg11 : memref<80x128xf32, #tpu.memory_space<vmem>>) dst(%dma_wait3A_73 : memref<80x128xf32, #tpu.memory_space<vmem_shared>>)
      tpu.yield
    }) : () -> ()
    %mul3A_18 = arith.constant 640 : i32
    %mul3A_19 = arith.muli %arg1, %mul3A_18 : i32
    %add3A_20 = arith.constant 80 : i32
    %add3A_21 = arith.addi %mul3A_19, %add3A_20 : i32
    "tpu.region"() ({
      %run_scoped3A = tpu.sem_alloc : memref<!tpu.dma_semaphore, #tpu.memory_space<semaphore_mem>>
      %dma_start3A = arith.constant 0 : i32
      %dma_start3A_68 = tpu.memref_slice %arg13[%add3A_21, %dma_start3A] : memref<10240x128xf32, #tpu.memory_space<vmem_shared>> -> memref<80x128xf32, #tpu.memory_space<vmem_shared>>
      %dma_start3A_69 = arith.constant 0 : i32
      %dma_start3A_70 = tpu.memref_slice %arg13[%add3A_21, %dma_start3A_69] : memref<10240x128xf32, #tpu.memory_space<vmem_shared>> -> memref<80x128xf32, #tpu.memory_space<vmem_shared>>
      tpu.enqueue_dma source(%arg11 : memref<80x128xf32, #tpu.memory_space<vmem>>) target(%dma_start3A_70 : memref<80x128xf32, #tpu.memory_space<vmem_shared>>) target_semaphore(%run_scoped3A : memref<!tpu.dma_semaphore, #tpu.memory_space<semaphore_mem>>)
      %dma_wait3A = arith.constant 0 : i32
      %dma_wait3A_71 = tpu.memref_slice %arg13[%add3A_21, %dma_wait3A] : memref<10240x128xf32, #tpu.memory_space<vmem_shared>> -> memref<80x128xf32, #tpu.memory_space<vmem_shared>>
      %dma_wait3A_72 = arith.constant 0 : i32
      %dma_wait3A_73 = tpu.memref_slice %arg13[%add3A_21, %dma_wait3A_72] : memref<10240x128xf32, #tpu.memory_space<vmem_shared>> -> memref<80x128xf32, #tpu.memory_space<vmem_shared>>
      tpu.wait_dma2 semaphore(%run_scoped3A : memref<!tpu.dma_semaphore, #tpu.memory_space<semaphore_mem>>) src(%arg11 : memref<80x128xf32, #tpu.memory_space<vmem>>) dst(%dma_wait3A_73 : memref<80x128xf32, #tpu.memory_space<vmem_shared>>)
      tpu.yield
    }) : () -> ()
    %mul3A_22 = arith.constant 640 : i32
    %mul3A_23 = arith.muli %arg1, %mul3A_22 : i32
    %add3A_24 = arith.constant 160 : i32
    %add3A_25 = arith.addi %mul3A_23, %add3A_24 : i32
    "tpu.region"() ({
      %run_scoped3A = tpu.sem_alloc : memref<!tpu.dma_semaphore, #tpu.memory_space<semaphore_mem>>
      %dma_start3A = arith.constant 0 : i32
      %dma_start3A_68 = tpu.memref_slice %arg13[%add3A_25, %dma_start3A] : memref<10240x128xf32, #tpu.memory_space<vmem_shared>> -> memref<80x128xf32, #tpu.memory_space<vmem_shared>>
      %dma_start3A_69 = arith.constant 0 : i32
      %dma_start3A_70 = tpu.memref_slice %arg13[%add3A_25, %dma_start3A_69] : memref<10240x128xf32, #tpu.memory_space<vmem_shared>> -> memref<80x128xf32, #tpu.memory_space<vmem_shared>>
      tpu.enqueue_dma source(%arg11 : memref<80x128xf32, #tpu.memory_space<vmem>>) target(%dma_start3A_70 : memref<80x128xf32, #tpu.memory_space<vmem_shared>>) target_semaphore(%run_scoped3A : memref<!tpu.dma_semaphore, #tpu.memory_space<semaphore_mem>>)
      %dma_wait3A = arith.constant 0 : i32
      %dma_wait3A_71 = tpu.memref_slice %arg13[%add3A_25, %dma_wait3A] : memref<10240x128xf32, #tpu.memory_space<vmem_shared>> -> memref<80x128xf32, #tpu.memory_space<vmem_shared>>
      %dma_wait3A_72 = arith.constant 0 : i32
      %dma_wait3A_73 = tpu.memref_slice %arg13[%add3A_25, %dma_wait3A_72] : memref<10240x128xf32, #tpu.memory_space<vmem_shared>> -> memref<80x128xf32, #tpu.memory_space<vmem_shared>>
      tpu.wait_dma2 semaphore(%run_scoped3A : memref<!tpu.dma_semaphore, #tpu.memory_space<semaphore_mem>>) src(%arg11 : memref<80x128xf32, #tpu.memory_space<vmem>>) dst(%dma_wait3A_73 : memref<80x128xf32, #tpu.memory_space<vmem_shared>>)
      tpu.yield
    }) : () -> ()
    %mul3A_26 = arith.constant 640 : i32
    %mul3A_27 = arith.muli %arg1, %mul3A_26 : i32
    %add3A_28 = arith.constant 240 : i32
    %add3A_29 = arith.addi %mul3A_27, %add3A_28 : i32
    "tpu.region"() ({
      %run_scoped3A = tpu.sem_alloc : memref<!tpu.dma_semaphore, #tpu.memory_space<semaphore_mem>>
      %dma_start3A = arith.constant 0 : i32
      %dma_start3A_68 = tpu.memref_slice %arg13[%add3A_29, %dma_start3A] : memref<10240x128xf32, #tpu.memory_space<vmem_shared>> -> memref<80x128xf32, #tpu.memory_space<vmem_shared>>
      %dma_start3A_69 = arith.constant 0 : i32
      %dma_start3A_70 = tpu.memref_slice %arg13[%add3A_29, %dma_start3A_69] : memref<10240x128xf32, #tpu.memory_space<vmem_shared>> -> memref<80x128xf32, #tpu.memory_space<vmem_shared>>
      tpu.enqueue_dma source(%arg11 : memref<80x128xf32, #tpu.memory_space<vmem>>) target(%dma_start3A_70 : memref<80x128xf32, #tpu.memory_space<vmem_shared>>) target_semaphore(%run_scoped3A : memref<!tpu.dma_semaphore, #tpu.memory_space<semaphore_mem>>)
      %dma_wait3A = arith.constant 0 : i32
      %dma_wait3A_71 = tpu.memref_slice %arg13[%add3A_29, %dma_wait3A] : memref<10240x128xf32, #tpu.memory_space<vmem_shared>> -> memref<80x128xf32, #tpu.memory_space<vmem_shared>>
      %dma_wait3A_72 = arith.constant 0 : i32
      %dma_wait3A_73 = tpu.memref_slice %arg13[%add3A_29, %dma_wait3A_72] : memref<10240x128xf32, #tpu.memory_space<vmem_shared>> -> memref<80x128xf32, #tpu.memory_space<vmem_shared>>
      tpu.wait_dma2 semaphore(%run_scoped3A : memref<!tpu.dma_semaphore, #tpu.memory_space<semaphore_mem>>) src(%arg11 : memref<80x128xf32, #tpu.memory_space<vmem>>) dst(%dma_wait3A_73 : memref<80x128xf32, #tpu.memory_space<vmem_shared>>)
      tpu.yield
    }) : () -> ()
    %mul3A_30 = arith.constant 640 : i32
    %mul3A_31 = arith.muli %arg1, %mul3A_30 : i32
    %add3A_32 = arith.constant 320 : i32
    %add3A_33 = arith.addi %mul3A_31, %add3A_32 : i32
    "tpu.region"() ({
      %run_scoped3A = tpu.sem_alloc : memref<!tpu.dma_semaphore, #tpu.memory_space<semaphore_mem>>
      %dma_start3A = arith.constant 0 : i32
      %dma_start3A_68 = tpu.memref_slice %arg13[%add3A_33, %dma_start3A] : memref<10240x128xf32, #tpu.memory_space<vmem_shared>> -> memref<80x128xf32, #tpu.memory_space<vmem_shared>>
      %dma_start3A_69 = arith.constant 0 : i32
      %dma_start3A_70 = tpu.memref_slice %arg13[%add3A_33, %dma_start3A_69] : memref<10240x128xf32, #tpu.memory_space<vmem_shared>> -> memref<80x128xf32, #tpu.memory_space<vmem_shared>>
      tpu.enqueue_dma source(%arg11 : memref<80x128xf32, #tpu.memory_space<vmem>>) target(%dma_start3A_70 : memref<80x128xf32, #tpu.memory_space<vmem_shared>>) target_semaphore(%run_scoped3A : memref<!tpu.dma_semaphore, #tpu.memory_space<semaphore_mem>>)
      %dma_wait3A = arith.constant 0 : i32
      %dma_wait3A_71 = tpu.memref_slice %arg13[%add3A_33, %dma_wait3A] : memref<10240x128xf32, #tpu.memory_space<vmem_shared>> -> memref<80x128xf32, #tpu.memory_space<vmem_shared>>
      %dma_wait3A_72 = arith.constant 0 : i32
      %dma_wait3A_73 = tpu.memref_slice %arg13[%add3A_33, %dma_wait3A_72] : memref<10240x128xf32, #tpu.memory_space<vmem_shared>> -> memref<80x128xf32, #tpu.memory_space<vmem_shared>>
      tpu.wait_dma2 semaphore(%run_scoped3A : memref<!tpu.dma_semaphore, #tpu.memory_space<semaphore_mem>>) src(%arg11 : memref<80x128xf32, #tpu.memory_space<vmem>>) dst(%dma_wait3A_73 : memref<80x128xf32, #tpu.memory_space<vmem_shared>>)
      tpu.yield
    }) : () -> ()
    %mul3A_34 = arith.constant 640 : i32
    %mul3A_35 = arith.muli %arg1, %mul3A_34 : i32
    %add3A_36 = arith.constant 400 : i32
    %add3A_37 = arith.addi %mul3A_35, %add3A_36 : i32
    "tpu.region"() ({
      %run_scoped3A = tpu.sem_alloc : memref<!tpu.dma_semaphore, #tpu.memory_space<semaphore_mem>>
      %dma_start3A = arith.constant 0 : i32
      %dma_start3A_68 = tpu.memref_slice %arg13[%add3A_37, %dma_start3A] : memref<10240x128xf32, #tpu.memory_space<vmem_shared>> -> memref<80x128xf32, #tpu.memory_space<vmem_shared>>
      %dma_start3A_69 = arith.constant 0 : i32
      %dma_start3A_70 = tpu.memref_slice %arg13[%add3A_37, %dma_start3A_69] : memref<10240x128xf32, #tpu.memory_space<vmem_shared>> -> memref<80x128xf32, #tpu.memory_space<vmem_shared>>
      tpu.enqueue_dma source(%arg11 : memref<80x128xf32, #tpu.memory_space<vmem>>) target(%dma_start3A_70 : memref<80x128xf32, #tpu.memory_space<vmem_shared>>) target_semaphore(%run_scoped3A : memref<!tpu.dma_semaphore, #tpu.memory_space<semaphore_mem>>)
      %dma_wait3A = arith.constant 0 : i32
      %dma_wait3A_71 = tpu.memref_slice %arg13[%add3A_37, %dma_wait3A] : memref<10240x128xf32, #tpu.memory_space<vmem_shared>> -> memref<80x128xf32, #tpu.memory_space<vmem_shared>>
      %dma_wait3A_72 = arith.constant 0 : i32
      %dma_wait3A_73 = tpu.memref_slice %arg13[%add3A_37, %dma_wait3A_72] : memref<10240x128xf32, #tpu.memory_space<vmem_shared>> -> memref<80x128xf32, #tpu.memory_space<vmem_shared>>
      tpu.wait_dma2 semaphore(%run_scoped3A : memref<!tpu.dma_semaphore, #tpu.memory_space<semaphore_mem>>) src(%arg11 : memref<80x128xf32, #tpu.memory_space<vmem>>) dst(%dma_wait3A_73 : memref<80x128xf32, #tpu.memory_space<vmem_shared>>)
      tpu.yield
    }) : () -> ()
    %mul3A_38 = arith.constant 640 : i32
    %mul3A_39 = arith.muli %arg1, %mul3A_38 : i32
    %add3A_40 = arith.constant 480 : i32
    %add3A_41 = arith.addi %mul3A_39, %add3A_40 : i32
    "tpu.region"() ({
      %run_scoped3A = tpu.sem_alloc : memref<!tpu.dma_semaphore, #tpu.memory_space<semaphore_mem>>
      %dma_start3A = arith.constant 0 : i32
      %dma_start3A_68 = tpu.memref_slice %arg13[%add3A_41, %dma_start3A] : memref<10240x128xf32, #tpu.memory_space<vmem_shared>> -> memref<80x128xf32, #tpu.memory_space<vmem_shared>>
      %dma_start3A_69 = arith.constant 0 : i32
      %dma_start3A_70 = tpu.memref_slice %arg13[%add3A_41, %dma_start3A_69] : memref<10240x128xf32, #tpu.memory_space<vmem_shared>> -> memref<80x128xf32, #tpu.memory_space<vmem_shared>>
      tpu.enqueue_dma source(%arg11 : memref<80x128xf32, #tpu.memory_space<vmem>>) target(%dma_start3A_70 : memref<80x128xf32, #tpu.memory_space<vmem_shared>>) target_semaphore(%run_scoped3A : memref<!tpu.dma_semaphore, #tpu.memory_space<semaphore_mem>>)
      %dma_wait3A = arith.constant 0 : i32
      %dma_wait3A_71 = tpu.memref_slice %arg13[%add3A_41, %dma_wait3A] : memref<10240x128xf32, #tpu.memory_space<vmem_shared>> -> memref<80x128xf32, #tpu.memory_space<vmem_shared>>
      %dma_wait3A_72 = arith.constant 0 : i32
      %dma_wait3A_73 = tpu.memref_slice %arg13[%add3A_41, %dma_wait3A_72] : memref<10240x128xf32, #tpu.memory_space<vmem_shared>> -> memref<80x128xf32, #tpu.memory_space<vmem_shared>>
      tpu.wait_dma2 semaphore(%run_scoped3A : memref<!tpu.dma_semaphore, #tpu.memory_space<semaphore_mem>>) src(%arg11 : memref<80x128xf32, #tpu.memory_space<vmem>>) dst(%dma_wait3A_73 : memref<80x128xf32, #tpu.memory_space<vmem_shared>>)
      tpu.yield
    }) : () -> ()
    %mul3A_42 = arith.constant 640 : i32
    %mul3A_43 = arith.muli %arg1, %mul3A_42 : i32
    %add3A_44 = arith.constant 560 : i32
    %add3A_45 = arith.addi %mul3A_43, %add3A_44 : i32
    "tpu.region"() ({
      %run_scoped3A = tpu.sem_alloc : memref<!tpu.dma_semaphore, #tpu.memory_space<semaphore_mem>>
      %dma_start3A = arith.constant 0 : i32
      %dma_start3A_68 = tpu.memref_slice %arg13[%add3A_45, %dma_start3A] : memref<10240x128xf32, #tpu.memory_space<vmem_shared>> -> memref<80x128xf32, #tpu.memory_space<vmem_shared>>
      %dma_start3A_69 = arith.constant 0 : i32
      %dma_start3A_70 = tpu.memref_slice %arg13[%add3A_45, %dma_start3A_69] : memref<10240x128xf32, #tpu.memory_space<vmem_shared>> -> memref<80x128xf32, #tpu.memory_space<vmem_shared>>
      tpu.enqueue_dma source(%arg11 : memref<80x128xf32, #tpu.memory_space<vmem>>) target(%dma_start3A_70 : memref<80x128xf32, #tpu.memory_space<vmem_shared>>) target_semaphore(%run_scoped3A : memref<!tpu.dma_semaphore, #tpu.memory_space<semaphore_mem>>)
      %dma_wait3A = arith.constant 0 : i32
      %dma_wait3A_71 = tpu.memref_slice %arg13[%add3A_45, %dma_wait3A] : memref<10240x128xf32, #tpu.memory_space<vmem_shared>> -> memref<80x128xf32, #tpu.memory_space<vmem_shared>>
      %dma_wait3A_72 = arith.constant 0 : i32
      %dma_wait3A_73 = tpu.memref_slice %arg13[%add3A_45, %dma_wait3A_72] : memref<10240x128xf32, #tpu.memory_space<vmem_shared>> -> memref<80x128xf32, #tpu.memory_space<vmem_shared>>
      tpu.wait_dma2 semaphore(%run_scoped3A : memref<!tpu.dma_semaphore, #tpu.memory_space<semaphore_mem>>) src(%arg11 : memref<80x128xf32, #tpu.memory_space<vmem>>) dst(%dma_wait3A_73 : memref<80x128xf32, #tpu.memory_space<vmem_shared>>)
      tpu.yield
    }) : () -> ()
    %mul3A_46 = arith.constant 80 : i32
    %mul3A_47 = arith.muli %arg1, %mul3A_46 : i32
    "tpu.region"() ({
      %run_scoped3A = tpu.sem_alloc : memref<!tpu.dma_semaphore, #tpu.memory_space<semaphore_mem>>
      %dma_start3A = arith.constant 0 : i32
      %dma_start3A_68 = tpu.memref_slice %arg14[%mul3A_47, %dma_start3A] : memref<1280x128xf32, #tpu.memory_space<vmem_shared>> -> memref<80x128xf32, #tpu.memory_space<vmem_shared>>
      %dma_start3A_69 = arith.constant 0 : i32
      %dma_start3A_70 = tpu.memref_slice %arg14[%mul3A_47, %dma_start3A_69] : memref<1280x128xf32, #tpu.memory_space<vmem_shared>> -> memref<80x128xf32, #tpu.memory_space<vmem_shared>>
      tpu.enqueue_dma source(%arg12 : memref<80x128xf32, #tpu.memory_space<vmem>>) target(%dma_start3A_70 : memref<80x128xf32, #tpu.memory_space<vmem_shared>>) target_semaphore(%run_scoped3A : memref<!tpu.dma_semaphore, #tpu.memory_space<semaphore_mem>>)
      %dma_wait3A = arith.constant 0 : i32
      %dma_wait3A_71 = tpu.memref_slice %arg14[%mul3A_47, %dma_wait3A] : memref<1280x128xf32, #tpu.memory_space<vmem_shared>> -> memref<80x128xf32, #tpu.memory_space<vmem_shared>>
      %dma_wait3A_72 = arith.constant 0 : i32
      %dma_wait3A_73 = tpu.memref_slice %arg14[%mul3A_47, %dma_wait3A_72] : memref<1280x128xf32, #tpu.memory_space<vmem_shared>> -> memref<80x128xf32, #tpu.memory_space<vmem_shared>>
      tpu.wait_dma2 semaphore(%run_scoped3A : memref<!tpu.dma_semaphore, #tpu.memory_space<semaphore_mem>>) src(%arg12 : memref<80x128xf32, #tpu.memory_space<vmem>>) dst(%dma_wait3A_73 : memref<80x128xf32, #tpu.memory_space<vmem_shared>>)
      tpu.yield
    }) : () -> ()
    %barrier3A = arith.constant 0 : index
    tpu.barrier barrier_id(%barrier3A)
    %mul3A_48 = arith.constant 10000 : i32
    %mul3A_49 = arith.muli %add3A, %mul3A_48 : i32
    %while3A_50 = arith.constant 0.176776692 : f32
    %while3A_51 = arith.constant 0 : i32
    %while3A_52 = arith.constant 125 : i32
    %while3A_53 = arith.subi %while3A_52, %while3A_51 : i32
    %while3A_54 = arith.addi %while3A_51, %while3A_53 : i32
    %while3A_55 = arith.constant 1 : i32
    %while3A_56 = arith.divsi %while3A_53, %while3A_55 : i32
    %while3A_57 = arith.muli %while3A_56, %while3A_55 : i32
    %while3A_58 = arith.addi %while3A_51, %while3A_57 : i32
    %while3A_59 = arith.constant 1 : i32
    %while3A_60 = scf.for %while3A_68 = %while3A_51 to %while3A_58 step %while3A_59 iter_args(%while3A_69 = %mul3A_49) -> (i32)  : i32 {
      %multiple_of3A = tpu.assume_multiple %while3A_69, 8 : i32
      "tpu.region"() ({
        %run_scoped3A = tpu.sem_alloc : memref<!tpu.dma_semaphore, #tpu.memory_space<semaphore_mem>>
        %dma_start3A_127 = tpu.memref_slice %arg3[%multiple_of3A] : memref<320000xi32, #tpu.memory_space<hbm>> -> memref<80xi32, #tpu.memory_space<hbm>>
        %dma_start3A_128 = tpu.memref_slice %arg3[%multiple_of3A] : memref<320000xi32, #tpu.memory_space<hbm>> -> memref<80xi32, #tpu.memory_space<hbm>>
        tpu.enqueue_dma source(%dma_start3A_128 : memref<80xi32, #tpu.memory_space<hbm>>) target(%arg7 : memref<80xi32, #tpu.memory_space<vmem>>) target_semaphore(%run_scoped3A : memref<!tpu.dma_semaphore, #tpu.memory_space<semaphore_mem>>)
        %dma_wait3A_129 = tpu.memref_slice %arg3[%multiple_of3A] : memref<320000xi32, #tpu.memory_space<hbm>> -> memref<80xi32, #tpu.memory_space<hbm>>
        %dma_wait3A_130 = tpu.memref_slice %arg3[%multiple_of3A] : memref<320000xi32, #tpu.memory_space<hbm>> -> memref<80xi32, #tpu.memory_space<hbm>>
        tpu.wait_dma2 semaphore(%run_scoped3A : memref<!tpu.dma_semaphore, #tpu.memory_space<semaphore_mem>>) src(%dma_wait3A_130 : memref<80xi32, #tpu.memory_space<hbm>>) dst(%arg7 : memref<80xi32, #tpu.memory_space<vmem>>)
        tpu.yield
      }) : () -> ()
      "tpu.region"() ({
        %run_scoped3A = tpu.sem_alloc : memref<!tpu.dma_semaphore, #tpu.memory_space<semaphore_mem>>
        %dma_start3A_127 = tpu.memref_slice %arg4[%multiple_of3A] : memref<320000xi32, #tpu.memory_space<hbm>> -> memref<80xi32, #tpu.memory_space<hbm>>
        %dma_start3A_128 = tpu.memref_slice %arg4[%multiple_of3A] : memref<320000xi32, #tpu.memory_space<hbm>> -> memref<80xi32, #tpu.memory_space<hbm>>
        tpu.enqueue_dma source(%dma_start3A_128 : memref<80xi32, #tpu.memory_space<hbm>>) target(%arg8 : memref<80xi32, #tpu.memory_space<vmem>>) target_semaphore(%run_scoped3A : memref<!tpu.dma_semaphore, #tpu.memory_space<semaphore_mem>>)
        %dma_wait3A_129 = tpu.memref_slice %arg4[%multiple_of3A] : memref<320000xi32, #tpu.memory_space<hbm>> -> memref<80xi32, #tpu.memory_space<hbm>>
        %dma_wait3A_130 = tpu.memref_slice %arg4[%multiple_of3A] : memref<320000xi32, #tpu.memory_space<hbm>> -> memref<80xi32, #tpu.memory_space<hbm>>
        tpu.wait_dma2 semaphore(%run_scoped3A : memref<!tpu.dma_semaphore, #tpu.memory_space<semaphore_mem>>) src(%dma_wait3A_130 : memref<80xi32, #tpu.memory_space<hbm>>) dst(%arg8 : memref<80xi32, #tpu.memory_space<vmem>>)
        tpu.yield
      }) : () -> ()
      %dma_start3A = arith.constant 0 : i32
      %dma_start3A_70 = arith.constant 0 : i32
      %dma_start3A_71 = tpu.memref_slice %arg2[%dma_start3A, %dma_start3A_70] : memref<10000x128xf32, #tpu.memory_space<hbm>> -> memref<10000x128xf32, #tpu.memory_space<hbm>>
      tpu.enqueue_indirect_dma source(%dma_start3A_71 : memref<10000x128xf32, #tpu.memory_space<hbm>>) target(%arg10 : memref<80x128xf32, #tpu.memory_space<vmem>>) offsets(%arg7 : memref<80xi32, #tpu.memory_space<vmem>>) semaphore(%arg15 : memref<!tpu.dma_semaphore, #tpu.memory_space<semaphore_mem>>)
      %dma_wait3A = arith.constant 0 : i32
      %dma_wait3A_72 = arith.constant 0 : i32
      %dma_wait3A_73 = tpu.memref_slice %arg2[%dma_wait3A, %dma_wait3A_72] : memref<10000x128xf32, #tpu.memory_space<hbm>> -> memref<10000x128xf32, #tpu.memory_space<hbm>>
      tpu.wait_indirect_dma semaphore(%arg15 : memref<!tpu.dma_semaphore, #tpu.memory_space<semaphore_mem>>) src(%dma_wait3A_73 : memref<10000x128xf32, #tpu.memory_space<hbm>>) dst(%arg10 : memref<80x128xf32, #tpu.memory_space<vmem>>)
      %dma_start3A_74 = arith.constant 0 : i32
      %dma_start3A_75 = arith.constant 0 : i32
      %dma_start3A_76 = tpu.memref_slice %arg2[%dma_start3A_74, %dma_start3A_75] : memref<10000x128xf32, #tpu.memory_space<hbm>> -> memref<10000x128xf32, #tpu.memory_space<hbm>>
      tpu.enqueue_indirect_dma source(%dma_start3A_76 : memref<10000x128xf32, #tpu.memory_space<hbm>>) target(%arg11 : memref<80x128xf32, #tpu.memory_space<vmem>>) offsets(%arg8 : memref<80xi32, #tpu.memory_space<vmem>>) semaphore(%arg15 : memref<!tpu.dma_semaphore, #tpu.memory_space<semaphore_mem>>)
      %dma_wait3A_77 = arith.constant 0 : i32
      %dma_wait3A_78 = arith.constant 0 : i32
      %dma_wait3A_79 = tpu.memref_slice %arg2[%dma_wait3A_77, %dma_wait3A_78] : memref<10000x128xf32, #tpu.memory_space<hbm>> -> memref<10000x128xf32, #tpu.memory_space<hbm>>
      tpu.wait_indirect_dma semaphore(%arg15 : memref<!tpu.dma_semaphore, #tpu.memory_space<semaphore_mem>>) src(%dma_wait3A_79 : memref<10000x128xf32, #tpu.memory_space<hbm>>) dst(%arg11 : memref<80x128xf32, #tpu.memory_space<vmem>>)
      %get3A = arith.constant 0 : index
      %get3A_80 = tpu.vector_load %arg8[%get3A] {strides = array<i32>} : memref<80xi32, #tpu.memory_space<vmem>>, vector<16xi32>,
      %shift_right_logical3A = arith.constant 3 : i32
      %shift_right_logical3A_81 = vector.broadcast %shift_right_logical3A : i32 to vector<16xi32>
      %shift_right_logical3A_82 = arith.shrui %get3A_80, %shift_right_logical3A_81 : vector<16xi32>
      %swap3A = arith.constant 0 : index
      %swap3A_83 = tpu.vector_load %arg9[%swap3A] {strides = array<i32>} : memref<80xi32, #tpu.memory_space<vmem>>, vector<16xi32>,
      tpu.vector_store %arg9[%swap3A], %shift_right_logical3A_82 {strides = array<i32>} : memref<80xi32, #tpu.memory_space<vmem>>, vector<16xi32>,
      %get3A_84 = arith.constant 16 : index
      %get3A_85 = tpu.vector_load %arg8[%get3A_84] {strides = array<i32>} : memref<80xi32, #tpu.memory_space<vmem>>, vector<16xi32>,
      %shift_right_logical3A_86 = arith.constant 3 : i32
      %shift_right_logical3A_87 = vector.broadcast %shift_right_logical3A_86 : i32 to vector<16xi32>
      %shift_right_logical3A_88 = arith.shrui %get3A_85, %shift_right_logical3A_87 : vector<16xi32>
      %swap3A_89 = arith.constant 16 : index
      %swap3A_90 = tpu.vector_load %arg9[%swap3A_89] {strides = array<i32>} : memref<80xi32, #tpu.memory_space<vmem>>, vector<16xi32>,
      tpu.vector_store %arg9[%swap3A_89], %shift_right_logical3A_88 {strides = array<i32>} : memref<80xi32, #tpu.memory_space<vmem>>, vector<16xi32>,
      %get3A_91 = arith.constant 32 : index
      %get3A_92 = tpu.vector_load %arg8[%get3A_91] {strides = array<i32>} : memref<80xi32, #tpu.memory_space<vmem>>, vector<16xi32>,
      %shift_right_logical3A_93 = arith.constant 3 : i32
      %shift_right_logical3A_94 = vector.broadcast %shift_right_logical3A_93 : i32 to vector<16xi32>
      %shift_right_logical3A_95 = arith.shrui %get3A_92, %shift_right_logical3A_94 : vector<16xi32>
      %swap3A_96 = arith.constant 32 : index
      %swap3A_97 = tpu.vector_load %arg9[%swap3A_96] {strides = array<i32>} : memref<80xi32, #tpu.memory_space<vmem>>, vector<16xi32>,
      tpu.vector_store %arg9[%swap3A_96], %shift_right_logical3A_95 {strides = array<i32>} : memref<80xi32, #tpu.memory_space<vmem>>, vector<16xi32>,
      %get3A_98 = arith.constant 48 : index
      %get3A_99 = tpu.vector_load %arg8[%get3A_98] {strides = array<i32>} : memref<80xi32, #tpu.memory_space<vmem>>, vector<16xi32>,
      %shift_right_logical3A_100 = arith.constant 3 : i32
      %shift_right_logical3A_101 = vector.broadcast %shift_right_logical3A_100 : i32 to vector<16xi32>
      %shift_right_logical3A_102 = arith.shrui %get3A_99, %shift_right_logical3A_101 : vector<16xi32>
      %swap3A_103 = arith.constant 48 : index
      %swap3A_104 = tpu.vector_load %arg9[%swap3A_103] {strides = array<i32>} : memref<80xi32, #tpu.memory_space<vmem>>, vector<16xi32>,
      tpu.vector_store %arg9[%swap3A_103], %shift_right_logical3A_102 {strides = array<i32>} : memref<80xi32, #tpu.memory_space<vmem>>, vector<16xi32>,
      %get3A_105 = arith.constant 64 : index
      %get3A_106 = tpu.vector_load %arg8[%get3A_105] {strides = array<i32>} : memref<80xi32, #tpu.memory_space<vmem>>, vector<16xi32>,
      %shift_right_logical3A_107 = arith.constant 3 : i32
      %shift_right_logical3A_108 = vector.broadcast %shift_right_logical3A_107 : i32 to vector<16xi32>
      %shift_right_logical3A_109 = arith.shrui %get3A_106, %shift_right_logical3A_108 : vector<16xi32>
      %swap3A_110 = arith.constant 64 : index
      %swap3A_111 = tpu.vector_load %arg9[%swap3A_110] {strides = array<i32>} : memref<80xi32, #tpu.memory_space<vmem>>, vector<16xi32>,
      tpu.vector_store %arg9[%swap3A_110], %shift_right_logical3A_109 {strides = array<i32>} : memref<80xi32, #tpu.memory_space<vmem>>, vector<16xi32>,
      %while3A_112 = arith.constant 0 : i32
      %while3A_113 = arith.constant 80 : i32
      %while3A_114 = arith.constant 0 : i32
      %while3A_115 = arith.subi %while3A_113, %while3A_112 : i32
      %while3A_116 = arith.addi %while3A_112, %while3A_115 : i32
      %while3A_117 = arith.constant 1 : i32
      %while3A_118 = arith.divsi %while3A_115, %while3A_117 : i32
      %while3A_119 = arith.muli %while3A_118, %while3A_117 : i32
      %while3A_120 = arith.addi %while3A_112, %while3A_119 : i32
      %while3A_121 = arith.constant 1 : i32
      %while3A_122 = scf.for %while3A_127 = %while3A_112 to %while3A_120 step %while3A_121 iter_args(%while3A_128 = %while3A_114) -> (i32)  : i32 {
        %get3A_129 = arith.index_cast %while3A_128 : i32 to index
        %get3A_130 = arith.constant 0 : index
        %get3A_131 = tpu.vector_load %arg10[%get3A_129, %get3A_130] {strides = array<i32>} : memref<80x128xf32, #tpu.memory_space<vmem>>, vector<16xf32>,
        %get3A_132 = arith.index_cast %while3A_128 : i32 to index
        %get3A_133 = arith.constant 16 : index
        %get3A_134 = tpu.vector_load %arg10[%get3A_132, %get3A_133] {strides = array<i32>} : memref<80x128xf32, #tpu.memory_space<vmem>>, vector<16xf32>,
        %get3A_135 = arith.index_cast %while3A_128 : i32 to index
        %get3A_136 = arith.constant 32 : index
        %get3A_137 = tpu.vector_load %arg10[%get3A_135, %get3A_136] {strides = array<i32>} : memref<80x128xf32, #tpu.memory_space<vmem>>, vector<16xf32>,
        %get3A_138 = arith.index_cast %while3A_128 : i32 to index
        %get3A_139 = arith.constant 48 : index
        %get3A_140 = tpu.vector_load %arg10[%get3A_138, %get3A_139] {strides = array<i32>} : memref<80x128xf32, #tpu.memory_space<vmem>>, vector<16xf32>,
        %get3A_141 = arith.index_cast %while3A_128 : i32 to index
        %get3A_142 = arith.constant 64 : index
        %get3A_143 = tpu.vector_load %arg10[%get3A_141, %get3A_142] {strides = array<i32>} : memref<80x128xf32, #tpu.memory_space<vmem>>, vector<16xf32>,
        %get3A_144 = arith.index_cast %while3A_128 : i32 to index
        %get3A_145 = arith.constant 80 : index
        %get3A_146 = tpu.vector_load %arg10[%get3A_144, %get3A_145] {strides = array<i32>} : memref<80x128xf32, #tpu.memory_space<vmem>>, vector<16xf32>,
        %get3A_147 = arith.index_cast %while3A_128 : i32 to index
        %get3A_148 = arith.constant 96 : index
        %get3A_149 = tpu.vector_load %arg10[%get3A_147, %get3A_148] {strides = array<i32>} : memref<80x128xf32, #tpu.memory_space<vmem>>, vector<16xf32>,
        %get3A_150 = arith.index_cast %while3A_128 : i32 to index
        %get3A_151 = arith.constant 112 : index
        %get3A_152 = tpu.vector_load %arg10[%get3A_150, %get3A_151] {strides = array<i32>} : memref<80x128xf32, #tpu.memory_space<vmem>>, vector<16xf32>,
        %get3A_153 = arith.index_cast %while3A_128 : i32 to index
        %get3A_154 = arith.constant 0 : index
        %get3A_155 = tpu.vector_load %arg11[%get3A_153, %get3A_154] {strides = array<i32>} : memref<80x128xf32, #tpu.memory_space<vmem>>, vector<16xf32>,
        %get3A_156 = arith.index_cast %while3A_128 : i32 to index
        %get3A_157 = arith.constant 16 : index
        %get3A_158 = tpu.vector_load %arg11[%get3A_156, %get3A_157] {strides = array<i32>} : memref<80x128xf32, #tpu.memory_space<vmem>>, vector<16xf32>,
        %get3A_159 = arith.index_cast %while3A_128 : i32 to index
        %get3A_160 = arith.constant 32 : index
        %get3A_161 = tpu.vector_load %arg11[%get3A_159, %get3A_160] {strides = array<i32>} : memref<80x128xf32, #tpu.memory_space<vmem>>, vector<16xf32>,
        %get3A_162 = arith.index_cast %while3A_128 : i32 to index
        %get3A_163 = arith.constant 48 : index
        %get3A_164 = tpu.vector_load %arg11[%get3A_162, %get3A_163] {strides = array<i32>} : memref<80x128xf32, #tpu.memory_space<vmem>>, vector<16xf32>,
        %get3A_165 = arith.index_cast %while3A_128 : i32 to index
        %get3A_166 = arith.constant 64 : index
        %get3A_167 = tpu.vector_load %arg11[%get3A_165, %get3A_166] {strides = array<i32>} : memref<80x128xf32, #tpu.memory_space<vmem>>, vector<16xf32>,
        %get3A_168 = arith.index_cast %while3A_128 : i32 to index
        %get3A_169 = arith.constant 80 : index
        %get3A_170 = tpu.vector_load %arg11[%get3A_168, %get3A_169] {strides = array<i32>} : memref<80x128xf32, #tpu.memory_space<vmem>>, vector<16xf32>,
        %get3A_171 = arith.index_cast %while3A_128 : i32 to index
        %get3A_172 = arith.constant 96 : index
        %get3A_173 = tpu.vector_load %arg11[%get3A_171, %get3A_172] {strides = array<i32>} : memref<80x128xf32, #tpu.memory_space<vmem>>, vector<16xf32>,
        %get3A_174 = arith.index_cast %while3A_128 : i32 to index
        %get3A_175 = arith.constant 112 : index
        %get3A_176 = tpu.vector_load %arg11[%get3A_174, %get3A_175] {strides = array<i32>} : memref<80x128xf32, #tpu.memory_space<vmem>>, vector<16xf32>,
        %broadcast_in_dim3A_177 = vector.broadcast %while3A_128 : i32 to vector<16xi32>
        %gather3A = tpu.vector_load_idx %arg8[%broadcast_in_dim3A_177] : memref<80xi32, #tpu.memory_space<vmem>>[vector<16xi32>], vector<16xi32>,
        %and3A = arith.constant 7 : i32
        %and3A_178 = vector.broadcast %and3A : i32 to vector<16xi32>
        %and3A_179 = arith.andi %gather3A, %and3A_178 : vector<16xi32>
        %mul3A_180 = arith.mulf %get3A_131, %get3A_155 : vector<16xf32>
        %mul3A_181 = arith.mulf %get3A_134, %get3A_158 : vector<16xf32>
        %add3A_182 = arith.addf %mul3A_180, %mul3A_181 : vector<16xf32>
        %reduce_sum3A = arith.constant true
        %reduce_sum3A_183 = vector.broadcast %reduce_sum3A : i1 to vector<16xi1>
        %reduce_sum3A_184 = tpu.scan <sum>, %add3A_182 masked %reduce_sum3A_183 : vector<16xf32>, vector<16xi1> -> vector<16xf32>
        %reduce_sum3A_185 = vector.extract %reduce_sum3A_184[15] : f32 from vector<16xf32>
        %mul3A_186 = arith.mulf %reduce_sum3A_185, %while3A_50 : f32
        %broadcast_in_dim3A_187 = vector.broadcast %mul3A_186 : f32 to vector<16xf32>
        %exp3A = math.exp %broadcast_in_dim3A_187 : vector<16xf32>
        %mul3A_188 = arith.mulf %get3A_131, %exp3A : vector<16xf32>
        %swap3A_189 = arith.index_cast %while3A_128 : i32 to index
        %swap3A_190 = arith.constant 0 : index
        %swap3A_191 = tpu.vector_load %arg11[%swap3A_189, %swap3A_190] {strides = array<i32>} : memref<80x128xf32, #tpu.memory_space<vmem>>, vector<16xf32>,
        tpu.vector_store %arg11[%swap3A_189, %swap3A_190], %mul3A_188 {strides = array<i32>} : memref<80x128xf32, #tpu.memory_space<vmem>>, vector<16xf32>,
        %mul3A_192 = arith.mulf %get3A_134, %exp3A : vector<16xf32>
        %swap3A_193 = arith.index_cast %while3A_128 : i32 to index
        %swap3A_194 = arith.constant 16 : index
        %swap3A_195 = tpu.vector_load %arg11[%swap3A_193, %swap3A_194] {strides = array<i32>} : memref<80x128xf32, #tpu.memory_space<vmem>>, vector<16xf32>,
        tpu.vector_store %arg11[%swap3A_193, %swap3A_194], %mul3A_192 {strides = array<i32>} : memref<80x128xf32, #tpu.memory_space<vmem>>, vector<16xf32>,
        %mul3A_196 = arith.mulf %get3A_137, %get3A_161 : vector<16xf32>
        %mul3A_197 = arith.mulf %get3A_140, %get3A_164 : vector<16xf32>
        %add3A_198 = arith.addf %mul3A_196, %mul3A_197 : vector<16xf32>
        %reduce_sum3A_199 = arith.constant true
        %reduce_sum3A_200 = vector.broadcast %reduce_sum3A_199 : i1 to vector<16xi1>
        %reduce_sum3A_201 = tpu.scan <sum>, %add3A_198 masked %reduce_sum3A_200 : vector<16xf32>, vector<16xi1> -> vector<16xf32>
        %reduce_sum3A_202 = vector.extract %reduce_sum3A_201[15] : f32 from vector<16xf32>
        %mul3A_203 = arith.mulf %reduce_sum3A_202, %while3A_50 : f32
        %broadcast_in_dim3A_204 = vector.broadcast %mul3A_203 : f32 to vector<16xf32>
        %exp3A_205 = math.exp %broadcast_in_dim3A_204 : vector<16xf32>
        %mul3A_206 = arith.mulf %get3A_137, %exp3A_205 : vector<16xf32>
        %swap3A_207 = arith.index_cast %while3A_128 : i32 to index
        %swap3A_208 = arith.constant 32 : index
        %swap3A_209 = tpu.vector_load %arg11[%swap3A_207, %swap3A_208] {strides = array<i32>} : memref<80x128xf32, #tpu.memory_space<vmem>>, vector<16xf32>,
        tpu.vector_store %arg11[%swap3A_207, %swap3A_208], %mul3A_206 {strides = array<i32>} : memref<80x128xf32, #tpu.memory_space<vmem>>, vector<16xf32>,
        %mul3A_210 = arith.mulf %get3A_140, %exp3A_205 : vector<16xf32>
        %swap3A_211 = arith.index_cast %while3A_128 : i32 to index
        %swap3A_212 = arith.constant 48 : index
        %swap3A_213 = tpu.vector_load %arg11[%swap3A_211, %swap3A_212] {strides = array<i32>} : memref<80x128xf32, #tpu.memory_space<vmem>>, vector<16xf32>,
        tpu.vector_store %arg11[%swap3A_211, %swap3A_212], %mul3A_210 {strides = array<i32>} : memref<80x128xf32, #tpu.memory_space<vmem>>, vector<16xf32>,
        %mul3A_214 = arith.mulf %get3A_143, %get3A_167 : vector<16xf32>
        %mul3A_215 = arith.mulf %get3A_146, %get3A_170 : vector<16xf32>
        %add3A_216 = arith.addf %mul3A_214, %mul3A_215 : vector<16xf32>
        %reduce_sum3A_217 = arith.constant true
        %reduce_sum3A_218 = vector.broadcast %reduce_sum3A_217 : i1 to vector<16xi1>
        %reduce_sum3A_219 = tpu.scan <sum>, %add3A_216 masked %reduce_sum3A_218 : vector<16xf32>, vector<16xi1> -> vector<16xf32>
        %reduce_sum3A_220 = vector.extract %reduce_sum3A_219[15] : f32 from vector<16xf32>
        %mul3A_221 = arith.mulf %reduce_sum3A_220, %while3A_50 : f32
        %broadcast_in_dim3A_222 = vector.broadcast %mul3A_221 : f32 to vector<16xf32>
        %exp3A_223 = math.exp %broadcast_in_dim3A_222 : vector<16xf32>
        %mul3A_224 = arith.mulf %get3A_143, %exp3A_223 : vector<16xf32>
        %swap3A_225 = arith.index_cast %while3A_128 : i32 to index
        %swap3A_226 = arith.constant 64 : index
        %swap3A_227 = tpu.vector_load %arg11[%swap3A_225, %swap3A_226] {strides = array<i32>} : memref<80x128xf32, #tpu.memory_space<vmem>>, vector<16xf32>,
        tpu.vector_store %arg11[%swap3A_225, %swap3A_226], %mul3A_224 {strides = array<i32>} : memref<80x128xf32, #tpu.memory_space<vmem>>, vector<16xf32>,
        %mul3A_228 = arith.mulf %get3A_146, %exp3A_223 : vector<16xf32>
        %swap3A_229 = arith.index_cast %while3A_128 : i32 to index
        %swap3A_230 = arith.constant 80 : index
        %swap3A_231 = tpu.vector_load %arg11[%swap3A_229, %swap3A_230] {strides = array<i32>} : memref<80x128xf32, #tpu.memory_space<vmem>>, vector<16xf32>,
        tpu.vector_store %arg11[%swap3A_229, %swap3A_230], %mul3A_228 {strides = array<i32>} : memref<80x128xf32, #tpu.memory_space<vmem>>, vector<16xf32>,
        %mul3A_232 = arith.mulf %get3A_149, %get3A_173 : vector<16xf32>
        %mul3A_233 = arith.mulf %get3A_152, %get3A_176 : vector<16xf32>
        %add3A_234 = arith.addf %mul3A_232, %mul3A_233 : vector<16xf32>
        %reduce_sum3A_235 = arith.constant true
        %reduce_sum3A_236 = vector.broadcast %reduce_sum3A_235 : i1 to vector<16xi1>
        %reduce_sum3A_237 = tpu.scan <sum>, %add3A_234 masked %reduce_sum3A_236 : vector<16xf32>, vector<16xi1> -> vector<16xf32>
        %reduce_sum3A_238 = vector.extract %reduce_sum3A_237[15] : f32 from vector<16xf32>
        %mul3A_239 = arith.mulf %reduce_sum3A_238, %while3A_50 : f32
        %broadcast_in_dim3A_240 = vector.broadcast %mul3A_239 : f32 to vector<16xf32>
        %exp3A_241 = math.exp %broadcast_in_dim3A_240 : vector<16xf32>
        %mul3A_242 = arith.mulf %get3A_149, %exp3A_241 : vector<16xf32>
        %swap3A_243 = arith.index_cast %while3A_128 : i32 to index
        %swap3A_244 = arith.constant 96 : index
        %swap3A_245 = tpu.vector_load %arg11[%swap3A_243, %swap3A_244] {strides = array<i32>} : memref<80x128xf32, #tpu.memory_space<vmem>>, vector<16xf32>,
        tpu.vector_store %arg11[%swap3A_243, %swap3A_244], %mul3A_242 {strides = array<i32>} : memref<80x128xf32, #tpu.memory_space<vmem>>, vector<16xf32>,
        %mul3A_246 = arith.mulf %get3A_152, %exp3A_241 : vector<16xf32>
        %swap3A_247 = arith.index_cast %while3A_128 : i32 to index
        %swap3A_248 = arith.constant 112 : index
        %swap3A_249 = tpu.vector_load %arg11[%swap3A_247, %swap3A_248] {strides = array<i32>} : memref<80x128xf32, #tpu.memory_space<vmem>>, vector<16xf32>,
        tpu.vector_store %arg11[%swap3A_247, %swap3A_248], %mul3A_246 {strides = array<i32>} : memref<80x128xf32, #tpu.memory_space<vmem>>, vector<16xf32>,
        %eq3A = arith.constant 0 : i32
        %eq3A_250 = vector.broadcast %eq3A : i32 to vector<16xi32>
        %eq3A_251 = arith.cmpi eq, %iota3A, %eq3A_250 : vector<16xi32>
        %eq3A_252 = arith.constant 1 : i32
        %eq3A_253 = vector.broadcast %eq3A_252 : i32 to vector<16xi32>
        %eq3A_254 = arith.cmpi eq, %iota3A, %eq3A_253 : vector<16xi32>
        %eq3A_255 = arith.constant 2 : i32
        %eq3A_256 = vector.broadcast %eq3A_255 : i32 to vector<16xi32>
        %eq3A_257 = arith.cmpi eq, %iota3A, %eq3A_256 : vector<16xi32>
        %eq3A_258 = arith.constant 3 : i32
        %eq3A_259 = vector.broadcast %eq3A_258 : i32 to vector<16xi32>
        %eq3A_260 = arith.cmpi eq, %iota3A, %eq3A_259 : vector<16xi32>
        %select_n3A = arith.select %eq3A_260, %exp3A_241, %broadcast_in_dim3A_1 : vector<16xi1>, vector<16xf32>
        %select_n3A_261 = arith.select %eq3A_257, %exp3A_223, %select_n3A : vector<16xi1>, vector<16xf32>
        %select_n3A_262 = arith.select %eq3A_254, %exp3A_205, %select_n3A_261 : vector<16xi1>, vector<16xf32>
        %select_n3A_263 = arith.select %eq3A_251, %exp3A, %select_n3A_262 : vector<16xi1>, vector<16xf32>
        %eq3A_264 = arith.constant 0 : i32
        %eq3A_265 = vector.broadcast %eq3A_264 : i32 to vector<16xi32>
        %eq3A_266 = arith.cmpi eq, %and3A_179, %eq3A_265 : vector<16xi32>
        %select_n3A_267 = arith.select %eq3A_266, %select_n3A_263, %broadcast_in_dim3A_1 : vector<16xi1>, vector<16xf32>
        %swap3A_268 = arith.index_cast %while3A_128 : i32 to index
        %swap3A_269 = arith.constant 0 : index
        %swap3A_270 = tpu.vector_load %arg12[%swap3A_268, %swap3A_269] {strides = array<i32>} : memref<80x128xf32, #tpu.memory_space<vmem>>, vector<16xf32>,
        tpu.vector_store %arg12[%swap3A_268, %swap3A_269], %select_n3A_267 {strides = array<i32>} : memref<80x128xf32, #tpu.memory_space<vmem>>, vector<16xf32>,
        %eq3A_271 = arith.constant 1 : i32
        %eq3A_272 = vector.broadcast %eq3A_271 : i32 to vector<16xi32>
        %eq3A_273 = arith.cmpi eq, %and3A_179, %eq3A_272 : vector<16xi32>
        %select_n3A_274 = arith.select %eq3A_273, %select_n3A_263, %broadcast_in_dim3A_1 : vector<16xi1>, vector<16xf32>
        %swap3A_275 = arith.index_cast %while3A_128 : i32 to index
        %swap3A_276 = arith.constant 16 : index
        %swap3A_277 = tpu.vector_load %arg12[%swap3A_275, %swap3A_276] {strides = array<i32>} : memref<80x128xf32, #tpu.memory_space<vmem>>, vector<16xf32>,
        tpu.vector_store %arg12[%swap3A_275, %swap3A_276], %select_n3A_274 {strides = array<i32>} : memref<80x128xf32, #tpu.memory_space<vmem>>, vector<16xf32>,
        %eq3A_278 = arith.constant 2 : i32
        %eq3A_279 = vector.broadcast %eq3A_278 : i32 to vector<16xi32>
        %eq3A_280 = arith.cmpi eq, %and3A_179, %eq3A_279 : vector<16xi32>
        %select_n3A_281 = arith.select %eq3A_280, %select_n3A_263, %broadcast_in_dim3A_1 : vector<16xi1>, vector<16xf32>
        %swap3A_282 = arith.index_cast %while3A_128 : i32 to index
        %swap3A_283 = arith.constant 32 : index
        %swap3A_284 = tpu.vector_load %arg12[%swap3A_282, %swap3A_283] {strides = array<i32>} : memref<80x128xf32, #tpu.memory_space<vmem>>, vector<16xf32>,
        tpu.vector_store %arg12[%swap3A_282, %swap3A_283], %select_n3A_281 {strides = array<i32>} : memref<80x128xf32, #tpu.memory_space<vmem>>, vector<16xf32>,
        %eq3A_285 = arith.constant 3 : i32
        %eq3A_286 = vector.broadcast %eq3A_285 : i32 to vector<16xi32>
        %eq3A_287 = arith.cmpi eq, %and3A_179, %eq3A_286 : vector<16xi32>
        %select_n3A_288 = arith.select %eq3A_287, %select_n3A_263, %broadcast_in_dim3A_1 : vector<16xi1>, vector<16xf32>
        %swap3A_289 = arith.index_cast %while3A_128 : i32 to index
        %swap3A_290 = arith.constant 48 : index
        %swap3A_291 = tpu.vector_load %arg12[%swap3A_289, %swap3A_290] {strides = array<i32>} : memref<80x128xf32, #tpu.memory_space<vmem>>, vector<16xf32>,
        tpu.vector_store %arg12[%swap3A_289, %swap3A_290], %select_n3A_288 {strides = array<i32>} : memref<80x128xf32, #tpu.memory_space<vmem>>, vector<16xf32>,
        %eq3A_292 = arith.constant 4 : i32
        %eq3A_293 = vector.broadcast %eq3A_292 : i32 to vector<16xi32>
        %eq3A_294 = arith.cmpi eq, %and3A_179, %eq3A_293 : vector<16xi32>
        %select_n3A_295 = arith.select %eq3A_294, %select_n3A_263, %broadcast_in_dim3A_1 : vector<16xi1>, vector<16xf32>
        %swap3A_296 = arith.index_cast %while3A_128 : i32 to index
        %swap3A_297 = arith.constant 64 : index
        %swap3A_298 = tpu.vector_load %arg12[%swap3A_296, %swap3A_297] {strides = array<i32>} : memref<80x128xf32, #tpu.memory_space<vmem>>, vector<16xf32>,
        tpu.vector_store %arg12[%swap3A_296, %swap3A_297], %select_n3A_295 {strides = array<i32>} : memref<80x128xf32, #tpu.memory_space<vmem>>, vector<16xf32>,
        %eq3A_299 = arith.constant 5 : i32
        %eq3A_300 = vector.broadcast %eq3A_299 : i32 to vector<16xi32>
        %eq3A_301 = arith.cmpi eq, %and3A_179, %eq3A_300 : vector<16xi32>
        %select_n3A_302 = arith.select %eq3A_301, %select_n3A_263, %broadcast_in_dim3A_1 : vector<16xi1>, vector<16xf32>
        %swap3A_303 = arith.index_cast %while3A_128 : i32 to index
        %swap3A_304 = arith.constant 80 : index
        %swap3A_305 = tpu.vector_load %arg12[%swap3A_303, %swap3A_304] {strides = array<i32>} : memref<80x128xf32, #tpu.memory_space<vmem>>, vector<16xf32>,
        tpu.vector_store %arg12[%swap3A_303, %swap3A_304], %select_n3A_302 {strides = array<i32>} : memref<80x128xf32, #tpu.memory_space<vmem>>, vector<16xf32>,
        %eq3A_306 = arith.constant 6 : i32
        %eq3A_307 = vector.broadcast %eq3A_306 : i32 to vector<16xi32>
        %eq3A_308 = arith.cmpi eq, %and3A_179, %eq3A_307 : vector<16xi32>
        %select_n3A_309 = arith.select %eq3A_308, %select_n3A_263, %broadcast_in_dim3A_1 : vector<16xi1>, vector<16xf32>
        %swap3A_310 = arith.index_cast %while3A_128 : i32 to index
        %swap3A_311 = arith.constant 96 : index
        %swap3A_312 = tpu.vector_load %arg12[%swap3A_310, %swap3A_311] {strides = array<i32>} : memref<80x128xf32, #tpu.memory_space<vmem>>, vector<16xf32>,
        tpu.vector_store %arg12[%swap3A_310, %swap3A_311], %select_n3A_309 {strides = array<i32>} : memref<80x128xf32, #tpu.memory_space<vmem>>, vector<16xf32>,
        %eq3A_313 = arith.constant 7 : i32
        %eq3A_314 = vector.broadcast %eq3A_313 : i32 to vector<16xi32>
        %eq3A_315 = arith.cmpi eq, %and3A_179, %eq3A_314 : vector<16xi32>
        %select_n3A_316 = arith.select %eq3A_315, %select_n3A_263, %broadcast_in_dim3A_1 : vector<16xi1>, vector<16xf32>
        %swap3A_317 = arith.index_cast %while3A_128 : i32 to index
        %swap3A_318 = arith.constant 112 : index
        %swap3A_319 = tpu.vector_load %arg12[%swap3A_317, %swap3A_318] {strides = array<i32>} : memref<80x128xf32, #tpu.memory_space<vmem>>, vector<16xf32>,
        tpu.vector_store %arg12[%swap3A_317, %swap3A_318], %select_n3A_316 {strides = array<i32>} : memref<80x128xf32, #tpu.memory_space<vmem>>, vector<16xf32>,
        %add3A_320 = arith.constant 1 : i32
        %add3A_321 = arith.addi %while3A_128, %add3A_320 : i32
        scf.yield %add3A_321 : i32
      }
      %while3A_123 = arith.constant 1 : i32
      %while3A_124 = scf.for %while3A_127 = %while3A_120 to %while3A_116 step %while3A_123 iter_args(%while3A_128 = %while3A_122) -> (i32)  : i32 {
        %get3A_129 = arith.index_cast %while3A_128 : i32 to index
        %get3A_130 = arith.constant 0 : index
        %get3A_131 = tpu.vector_load %arg10[%get3A_129, %get3A_130] {strides = array<i32>} : memref<80x128xf32, #tpu.memory_space<vmem>>, vector<16xf32>,
        %get3A_132 = arith.index_cast %while3A_128 : i32 to index
        %get3A_133 = arith.constant 16 : index
        %get3A_134 = tpu.vector_load %arg10[%get3A_132, %get3A_133] {strides = array<i32>} : memref<80x128xf32, #tpu.memory_space<vmem>>, vector<16xf32>,
        %get3A_135 = arith.index_cast %while3A_128 : i32 to index
        %get3A_136 = arith.constant 32 : index
        %get3A_137 = tpu.vector_load %arg10[%get3A_135, %get3A_136] {strides = array<i32>} : memref<80x128xf32, #tpu.memory_space<vmem>>, vector<16xf32>,
        %get3A_138 = arith.index_cast %while3A_128 : i32 to index
        %get3A_139 = arith.constant 48 : index
        %get3A_140 = tpu.vector_load %arg10[%get3A_138, %get3A_139] {strides = array<i32>} : memref<80x128xf32, #tpu.memory_space<vmem>>, vector<16xf32>,
        %get3A_141 = arith.index_cast %while3A_128 : i32 to index
        %get3A_142 = arith.constant 64 : index
        %get3A_143 = tpu.vector_load %arg10[%get3A_141, %get3A_142] {strides = array<i32>} : memref<80x128xf32, #tpu.memory_space<vmem>>, vector<16xf32>,
        %get3A_144 = arith.index_cast %while3A_128 : i32 to index
        %get3A_145 = arith.constant 80 : index
        %get3A_146 = tpu.vector_load %arg10[%get3A_144, %get3A_145] {strides = array<i32>} : memref<80x128xf32, #tpu.memory_space<vmem>>, vector<16xf32>,
        %get3A_147 = arith.index_cast %while3A_128 : i32 to index
        %get3A_148 = arith.constant 96 : index
        %get3A_149 = tpu.vector_load %arg10[%get3A_147, %get3A_148] {strides = array<i32>} : memref<80x128xf32, #tpu.memory_space<vmem>>, vector<16xf32>,
        %get3A_150 = arith.index_cast %while3A_128 : i32 to index
        %get3A_151 = arith.constant 112 : index
        %get3A_152 = tpu.vector_load %arg10[%get3A_150, %get3A_151] {strides = array<i32>} : memref<80x128xf32, #tpu.memory_space<vmem>>, vector<16xf32>,
        %get3A_153 = arith.index_cast %while3A_128 : i32 to index
        %get3A_154 = arith.constant 0 : index
        %get3A_155 = tpu.vector_load %arg11[%get3A_153, %get3A_154] {strides = array<i32>} : memref<80x128xf32, #tpu.memory_space<vmem>>, vector<16xf32>,
        %get3A_156 = arith.index_cast %while3A_128 : i32 to index
        %get3A_157 = arith.constant 16 : index
        %get3A_158 = tpu.vector_load %arg11[%get3A_156, %get3A_157] {strides = array<i32>} : memref<80x128xf32, #tpu.memory_space<vmem>>, vector<16xf32>,
        %get3A_159 = arith.index_cast %while3A_128 : i32 to index
        %get3A_160 = arith.constant 32 : index
        %get3A_161 = tpu.vector_load %arg11[%get3A_159, %get3A_160] {strides = array<i32>} : memref<80x128xf32, #tpu.memory_space<vmem>>, vector<16xf32>,
        %get3A_162 = arith.index_cast %while3A_128 : i32 to index
        %get3A_163 = arith.constant 48 : index
        %get3A_164 = tpu.vector_load %arg11[%get3A_162, %get3A_163] {strides = array<i32>} : memref<80x128xf32, #tpu.memory_space<vmem>>, vector<16xf32>,
        %get3A_165 = arith.index_cast %while3A_128 : i32 to index
        %get3A_166 = arith.constant 64 : index
        %get3A_167 = tpu.vector_load %arg11[%get3A_165, %get3A_166] {strides = array<i32>} : memref<80x128xf32, #tpu.memory_space<vmem>>, vector<16xf32>,
        %get3A_168 = arith.index_cast %while3A_128 : i32 to index
        %get3A_169 = arith.constant 80 : index
        %get3A_170 = tpu.vector_load %arg11[%get3A_168, %get3A_169] {strides = array<i32>} : memref<80x128xf32, #tpu.memory_space<vmem>>, vector<16xf32>,
        %get3A_171 = arith.index_cast %while3A_128 : i32 to index
        %get3A_172 = arith.constant 96 : index
        %get3A_173 = tpu.vector_load %arg11[%get3A_171, %get3A_172] {strides = array<i32>} : memref<80x128xf32, #tpu.memory_space<vmem>>, vector<16xf32>,
        %get3A_174 = arith.index_cast %while3A_128 : i32 to index
        %get3A_175 = arith.constant 112 : index
        %get3A_176 = tpu.vector_load %arg11[%get3A_174, %get3A_175] {strides = array<i32>} : memref<80x128xf32, #tpu.memory_space<vmem>>, vector<16xf32>,
        %broadcast_in_dim3A_177 = vector.broadcast %while3A_128 : i32 to vector<16xi32>
        %gather3A = tpu.vector_load_idx %arg8[%broadcast_in_dim3A_177] : memref<80xi32, #tpu.memory_space<vmem>>[vector<16xi32>], vector<16xi32>,
        %and3A = arith.constant 7 : i32
        %and3A_178 = vector.broadcast %and3A : i32 to vector<16xi32>
        %and3A_179 = arith.andi %gather3A, %and3A_178 : vector<16xi32>
        %mul3A_180 = arith.mulf %get3A_131, %get3A_155 : vector<16xf32>
        %mul3A_181 = arith.mulf %get3A_134, %get3A_158 : vector<16xf32>
        %add3A_182 = arith.addf %mul3A_180, %mul3A_181 : vector<16xf32>
        %reduce_sum3A = arith.constant true
        %reduce_sum3A_183 = vector.broadcast %reduce_sum3A : i1 to vector<16xi1>
        %reduce_sum3A_184 = tpu.scan <sum>, %add3A_182 masked %reduce_sum3A_183 : vector<16xf32>, vector<16xi1> -> vector<16xf32>
        %reduce_sum3A_185 = vector.extract %reduce_sum3A_184[15] : f32 from vector<16xf32>
        %mul3A_186 = arith.mulf %reduce_sum3A_185, %while3A_50 : f32
        %broadcast_in_dim3A_187 = vector.broadcast %mul3A_186 : f32 to vector<16xf32>
        %exp3A = math.exp %broadcast_in_dim3A_187 : vector<16xf32>
        %mul3A_188 = arith.mulf %get3A_131, %exp3A : vector<16xf32>
        %swap3A_189 = arith.index_cast %while3A_128 : i32 to index
        %swap3A_190 = arith.constant 0 : index
        %swap3A_191 = tpu.vector_load %arg11[%swap3A_189, %swap3A_190] {strides = array<i32>} : memref<80x128xf32, #tpu.memory_space<vmem>>, vector<16xf32>,
        tpu.vector_store %arg11[%swap3A_189, %swap3A_190], %mul3A_188 {strides = array<i32>} : memref<80x128xf32, #tpu.memory_space<vmem>>, vector<16xf32>,
        %mul3A_192 = arith.mulf %get3A_134, %exp3A : vector<16xf32>
        %swap3A_193 = arith.index_cast %while3A_128 : i32 to index
        %swap3A_194 = arith.constant 16 : index
        %swap3A_195 = tpu.vector_load %arg11[%swap3A_193, %swap3A_194] {strides = array<i32>} : memref<80x128xf32, #tpu.memory_space<vmem>>, vector<16xf32>,
        tpu.vector_store %arg11[%swap3A_193, %swap3A_194], %mul3A_192 {strides = array<i32>} : memref<80x128xf32, #tpu.memory_space<vmem>>, vector<16xf32>,
        %mul3A_196 = arith.mulf %get3A_137, %get3A_161 : vector<16xf32>
        %mul3A_197 = arith.mulf %get3A_140, %get3A_164 : vector<16xf32>
        %add3A_198 = arith.addf %mul3A_196, %mul3A_197 : vector<16xf32>
        %reduce_sum3A_199 = arith.constant true
        %reduce_sum3A_200 = vector.broadcast %reduce_sum3A_199 : i1 to vector<16xi1>
        %reduce_sum3A_201 = tpu.scan <sum>, %add3A_198 masked %reduce_sum3A_200 : vector<16xf32>, vector<16xi1> -> vector<16xf32>
        %reduce_sum3A_202 = vector.extract %reduce_sum3A_201[15] : f32 from vector<16xf32>
        %mul3A_203 = arith.mulf %reduce_sum3A_202, %while3A_50 : f32
        %broadcast_in_dim3A_204 = vector.broadcast %mul3A_203 : f32 to vector<16xf32>
        %exp3A_205 = math.exp %broadcast_in_dim3A_204 : vector<16xf32>
        %mul3A_206 = arith.mulf %get3A_137, %exp3A_205 : vector<16xf32>
        %swap3A_207 = arith.index_cast %while3A_128 : i32 to index
        %swap3A_208 = arith.constant 32 : index
        %swap3A_209 = tpu.vector_load %arg11[%swap3A_207, %swap3A_208] {strides = array<i32>} : memref<80x128xf32, #tpu.memory_space<vmem>>, vector<16xf32>,
        tpu.vector_store %arg11[%swap3A_207, %swap3A_208], %mul3A_206 {strides = array<i32>} : memref<80x128xf32, #tpu.memory_space<vmem>>, vector<16xf32>,
        %mul3A_210 = arith.mulf %get3A_140, %exp3A_205 : vector<16xf32>
        %swap3A_211 = arith.index_cast %while3A_128 : i32 to index
        %swap3A_212 = arith.constant 48 : index
        %swap3A_213 = tpu.vector_load %arg11[%swap3A_211, %swap3A_212] {strides = array<i32>} : memref<80x128xf32, #tpu.memory_space<vmem>>, vector<16xf32>,
        tpu.vector_store %arg11[%swap3A_211, %swap3A_212], %mul3A_210 {strides = array<i32>} : memref<80x128xf32, #tpu.memory_space<vmem>>, vector<16xf32>,
        %mul3A_214 = arith.mulf %get3A_143, %get3A_167 : vector<16xf32>
        %mul3A_215 = arith.mulf %get3A_146, %get3A_170 : vector<16xf32>
        %add3A_216 = arith.addf %mul3A_214, %mul3A_215 : vector<16xf32>
        %reduce_sum3A_217 = arith.constant true
        %reduce_sum3A_218 = vector.broadcast %reduce_sum3A_217 : i1 to vector<16xi1>
        %reduce_sum3A_219 = tpu.scan <sum>, %add3A_216 masked %reduce_sum3A_218 : vector<16xf32>, vector<16xi1> -> vector<16xf32>
        %reduce_sum3A_220 = vector.extract %reduce_sum3A_219[15] : f32 from vector<16xf32>
        %mul3A_221 = arith.mulf %reduce_sum3A_220, %while3A_50 : f32
        %broadcast_in_dim3A_222 = vector.broadcast %mul3A_221 : f32 to vector<16xf32>
        %exp3A_223 = math.exp %broadcast_in_dim3A_222 : vector<16xf32>
        %mul3A_224 = arith.mulf %get3A_143, %exp3A_223 : vector<16xf32>
        %swap3A_225 = arith.index_cast %while3A_128 : i32 to index
        %swap3A_226 = arith.constant 64 : index
        %swap3A_227 = tpu.vector_load %arg11[%swap3A_225, %swap3A_226] {strides = array<i32>} : memref<80x128xf32, #tpu.memory_space<vmem>>, vector<16xf32>,
        tpu.vector_store %arg11[%swap3A_225, %swap3A_226], %mul3A_224 {strides = array<i32>} : memref<80x128xf32, #tpu.memory_space<vmem>>, vector<16xf32>,
        %mul3A_228 = arith.mulf %get3A_146, %exp3A_223 : vector<16xf32>
        %swap3A_229 = arith.index_cast %while3A_128 : i32 to index
        %swap3A_230 = arith.constant 80 : index
        %swap3A_231 = tpu.vector_load %arg11[%swap3A_229, %swap3A_230] {strides = array<i32>} : memref<80x128xf32, #tpu.memory_space<vmem>>, vector<16xf32>,
        tpu.vector_store %arg11[%swap3A_229, %swap3A_230], %mul3A_228 {strides = array<i32>} : memref<80x128xf32, #tpu.memory_space<vmem>>, vector<16xf32>,
        %mul3A_232 = arith.mulf %get3A_149, %get3A_173 : vector<16xf32>
        %mul3A_233 = arith.mulf %get3A_152, %get3A_176 : vector<16xf32>
        %add3A_234 = arith.addf %mul3A_232, %mul3A_233 : vector<16xf32>
        %reduce_sum3A_235 = arith.constant true
        %reduce_sum3A_236 = vector.broadcast %reduce_sum3A_235 : i1 to vector<16xi1>
        %reduce_sum3A_237 = tpu.scan <sum>, %add3A_234 masked %reduce_sum3A_236 : vector<16xf32>, vector<16xi1> -> vector<16xf32>
        %reduce_sum3A_238 = vector.extract %reduce_sum3A_237[15] : f32 from vector<16xf32>
        %mul3A_239 = arith.mulf %reduce_sum3A_238, %while3A_50 : f32
        %broadcast_in_dim3A_240 = vector.broadcast %mul3A_239 : f32 to vector<16xf32>
        %exp3A_241 = math.exp %broadcast_in_dim3A_240 : vector<16xf32>
        %mul3A_242 = arith.mulf %get3A_149, %exp3A_241 : vector<16xf32>
        %swap3A_243 = arith.index_cast %while3A_128 : i32 to index
        %swap3A_244 = arith.constant 96 : index
        %swap3A_245 = tpu.vector_load %arg11[%swap3A_243, %swap3A_244] {strides = array<i32>} : memref<80x128xf32, #tpu.memory_space<vmem>>, vector<16xf32>,
        tpu.vector_store %arg11[%swap3A_243, %swap3A_244], %mul3A_242 {strides = array<i32>} : memref<80x128xf32, #tpu.memory_space<vmem>>, vector<16xf32>,
        %mul3A_246 = arith.mulf %get3A_152, %exp3A_241 : vector<16xf32>
        %swap3A_247 = arith.index_cast %while3A_128 : i32 to index
        %swap3A_248 = arith.constant 112 : index
        %swap3A_249 = tpu.vector_load %arg11[%swap3A_247, %swap3A_248] {strides = array<i32>} : memref<80x128xf32, #tpu.memory_space<vmem>>, vector<16xf32>,
        tpu.vector_store %arg11[%swap3A_247, %swap3A_248], %mul3A_246 {strides = array<i32>} : memref<80x128xf32, #tpu.memory_space<vmem>>, vector<16xf32>,
        %eq3A = arith.constant 0 : i32
        %eq3A_250 = vector.broadcast %eq3A : i32 to vector<16xi32>
        %eq3A_251 = arith.cmpi eq, %iota3A, %eq3A_250 : vector<16xi32>
        %eq3A_252 = arith.constant 1 : i32
        %eq3A_253 = vector.broadcast %eq3A_252 : i32 to vector<16xi32>
        %eq3A_254 = arith.cmpi eq, %iota3A, %eq3A_253 : vector<16xi32>
        %eq3A_255 = arith.constant 2 : i32
        %eq3A_256 = vector.broadcast %eq3A_255 : i32 to vector<16xi32>
        %eq3A_257 = arith.cmpi eq, %iota3A, %eq3A_256 : vector<16xi32>
        %eq3A_258 = arith.constant 3 : i32
        %eq3A_259 = vector.broadcast %eq3A_258 : i32 to vector<16xi32>
        %eq3A_260 = arith.cmpi eq, %iota3A, %eq3A_259 : vector<16xi32>
        %select_n3A = arith.select %eq3A_260, %exp3A_241, %broadcast_in_dim3A_1 : vector<16xi1>, vector<16xf32>
        %select_n3A_261 = arith.select %eq3A_257, %exp3A_223, %select_n3A : vector<16xi1>, vector<16xf32>
        %select_n3A_262 = arith.select %eq3A_254, %exp3A_205, %select_n3A_261 : vector<16xi1>, vector<16xf32>
        %select_n3A_263 = arith.select %eq3A_251, %exp3A, %select_n3A_262 : vector<16xi1>, vector<16xf32>
        %eq3A_264 = arith.constant 0 : i32
        %eq3A_265 = vector.broadcast %eq3A_264 : i32 to vector<16xi32>
        %eq3A_266 = arith.cmpi eq, %and3A_179, %eq3A_265 : vector<16xi32>
        %select_n3A_267 = arith.select %eq3A_266, %select_n3A_263, %broadcast_in_dim3A_1 : vector<16xi1>, vector<16xf32>
        %swap3A_268 = arith.index_cast %while3A_128 : i32 to index
        %swap3A_269 = arith.constant 0 : index
        %swap3A_270 = tpu.vector_load %arg12[%swap3A_268, %swap3A_269] {strides = array<i32>} : memref<80x128xf32, #tpu.memory_space<vmem>>, vector<16xf32>,
        tpu.vector_store %arg12[%swap3A_268, %swap3A_269], %select_n3A_267 {strides = array<i32>} : memref<80x128xf32, #tpu.memory_space<vmem>>, vector<16xf32>,
        %eq3A_271 = arith.constant 1 : i32
        %eq3A_272 = vector.broadcast %eq3A_271 : i32 to vector<16xi32>
        %eq3A_273 = arith.cmpi eq, %and3A_179, %eq3A_272 : vector<16xi32>
        %select_n3A_274 = arith.select %eq3A_273, %select_n3A_263, %broadcast_in_dim3A_1 : vector<16xi1>, vector<16xf32>
        %swap3A_275 = arith.index_cast %while3A_128 : i32 to index
        %swap3A_276 = arith.constant 16 : index
        %swap3A_277 = tpu.vector_load %arg12[%swap3A_275, %swap3A_276] {strides = array<i32>} : memref<80x128xf32, #tpu.memory_space<vmem>>, vector<16xf32>,
        tpu.vector_store %arg12[%swap3A_275, %swap3A_276], %select_n3A_274 {strides = array<i32>} : memref<80x128xf32, #tpu.memory_space<vmem>>, vector<16xf32>,
        %eq3A_278 = arith.constant 2 : i32
        %eq3A_279 = vector.broadcast %eq3A_278 : i32 to vector<16xi32>
        %eq3A_280 = arith.cmpi eq, %and3A_179, %eq3A_279 : vector<16xi32>
        %select_n3A_281 = arith.select %eq3A_280, %select_n3A_263, %broadcast_in_dim3A_1 : vector<16xi1>, vector<16xf32>
        %swap3A_282 = arith.index_cast %while3A_128 : i32 to index
        %swap3A_283 = arith.constant 32 : index
        %swap3A_284 = tpu.vector_load %arg12[%swap3A_282, %swap3A_283] {strides = array<i32>} : memref<80x128xf32, #tpu.memory_space<vmem>>, vector<16xf32>,
        tpu.vector_store %arg12[%swap3A_282, %swap3A_283], %select_n3A_281 {strides = array<i32>} : memref<80x128xf32, #tpu.memory_space<vmem>>, vector<16xf32>,
        %eq3A_285 = arith.constant 3 : i32
        %eq3A_286 = vector.broadcast %eq3A_285 : i32 to vector<16xi32>
        %eq3A_287 = arith.cmpi eq, %and3A_179, %eq3A_286 : vector<16xi32>
        %select_n3A_288 = arith.select %eq3A_287, %select_n3A_263, %broadcast_in_dim3A_1 : vector<16xi1>, vector<16xf32>
        %swap3A_289 = arith.index_cast %while3A_128 : i32 to index
        %swap3A_290 = arith.constant 48 : index
        %swap3A_291 = tpu.vector_load %arg12[%swap3A_289, %swap3A_290] {strides = array<i32>} : memref<80x128xf32, #tpu.memory_space<vmem>>, vector<16xf32>,
        tpu.vector_store %arg12[%swap3A_289, %swap3A_290], %select_n3A_288 {strides = array<i32>} : memref<80x128xf32, #tpu.memory_space<vmem>>, vector<16xf32>,
        %eq3A_292 = arith.constant 4 : i32
        %eq3A_293 = vector.broadcast %eq3A_292 : i32 to vector<16xi32>
        %eq3A_294 = arith.cmpi eq, %and3A_179, %eq3A_293 : vector<16xi32>
        %select_n3A_295 = arith.select %eq3A_294, %select_n3A_263, %broadcast_in_dim3A_1 : vector<16xi1>, vector<16xf32>
        %swap3A_296 = arith.index_cast %while3A_128 : i32 to index
        %swap3A_297 = arith.constant 64 : index
        %swap3A_298 = tpu.vector_load %arg12[%swap3A_296, %swap3A_297] {strides = array<i32>} : memref<80x128xf32, #tpu.memory_space<vmem>>, vector<16xf32>,
        tpu.vector_store %arg12[%swap3A_296, %swap3A_297], %select_n3A_295 {strides = array<i32>} : memref<80x128xf32, #tpu.memory_space<vmem>>, vector<16xf32>,
        %eq3A_299 = arith.constant 5 : i32
        %eq3A_300 = vector.broadcast %eq3A_299 : i32 to vector<16xi32>
        %eq3A_301 = arith.cmpi eq, %and3A_179, %eq3A_300 : vector<16xi32>
        %select_n3A_302 = arith.select %eq3A_301, %select_n3A_263, %broadcast_in_dim3A_1 : vector<16xi1>, vector<16xf32>
        %swap3A_303 = arith.index_cast %while3A_128 : i32 to index
        %swap3A_304 = arith.constant 80 : index
        %swap3A_305 = tpu.vector_load %arg12[%swap3A_303, %swap3A_304] {strides = array<i32>} : memref<80x128xf32, #tpu.memory_space<vmem>>, vector<16xf32>,
        tpu.vector_store %arg12[%swap3A_303, %swap3A_304], %select_n3A_302 {strides = array<i32>} : memref<80x128xf32, #tpu.memory_space<vmem>>, vector<16xf32>,
        %eq3A_306 = arith.constant 6 : i32
        %eq3A_307 = vector.broadcast %eq3A_306 : i32 to vector<16xi32>
        %eq3A_308 = arith.cmpi eq, %and3A_179, %eq3A_307 : vector<16xi32>
        %select_n3A_309 = arith.select %eq3A_308, %select_n3A_263, %broadcast_in_dim3A_1 : vector<16xi1>, vector<16xf32>
        %swap3A_310 = arith.index_cast %while3A_128 : i32 to index
        %swap3A_311 = arith.constant 96 : index
        %swap3A_312 = tpu.vector_load %arg12[%swap3A_310, %swap3A_311] {strides = array<i32>} : memref<80x128xf32, #tpu.memory_space<vmem>>, vector<16xf32>,
        tpu.vector_store %arg12[%swap3A_310, %swap3A_311], %select_n3A_309 {strides = array<i32>} : memref<80x128xf32, #tpu.memory_space<vmem>>, vector<16xf32>,
        %eq3A_313 = arith.constant 7 : i32
        %eq3A_314 = vector.broadcast %eq3A_313 : i32 to vector<16xi32>
        %eq3A_315 = arith.cmpi eq, %and3A_179, %eq3A_314 : vector<16xi32>
        %select_n3A_316 = arith.select %eq3A_315, %select_n3A_263, %broadcast_in_dim3A_1 : vector<16xi1>, vector<16xf32>
        %swap3A_317 = arith.index_cast %while3A_128 : i32 to index
        %swap3A_318 = arith.constant 112 : index
        %swap3A_319 = tpu.vector_load %arg12[%swap3A_317, %swap3A_318] {strides = array<i32>} : memref<80x128xf32, #tpu.memory_space<vmem>>, vector<16xf32>,
        tpu.vector_store %arg12[%swap3A_317, %swap3A_318], %select_n3A_316 {strides = array<i32>} : memref<80x128xf32, #tpu.memory_space<vmem>>, vector<16xf32>,
        %add3A_320 = arith.constant 1 : i32
        %add3A_321 = arith.addi %while3A_128, %add3A_320 : i32
        scf.yield %add3A_321 : i32
      }
      "tpu.region"() ({
        %run_scoped3A = tpu.sem_alloc : memref<!tpu.dma_semaphore, #tpu.memory_space<semaphore_mem>>
        %dma_start3A_127 = arith.constant 0 : i32
        %dma_start3A_128 = arith.constant 0 : i32
        %dma_start3A_129 = tpu.memref_slice %arg13[%dma_start3A_127, %dma_start3A_128] : memref<10240x128xf32, #tpu.memory_space<vmem_shared>> -> memref<10240x128xf32, #tpu.memory_space<vmem_shared>>
        tpu.enqueue_indirect_dma source(%arg11 : memref<80x128xf32, #tpu.memory_space<vmem>>) target(%dma_start3A_129 : memref<10240x128xf32, #tpu.memory_space<vmem_shared>>) offsets(%arg8 : memref<80xi32, #tpu.memory_space<vmem>>) semaphore(%run_scoped3A : memref<!tpu.dma_semaphore, #tpu.memory_space<semaphore_mem>>) {add = true}
        %dma_wait3A_130 = arith.constant 0 : i32
        %dma_wait3A_131 = arith.constant 0 : i32
        %dma_wait3A_132 = tpu.memref_slice %arg13[%dma_wait3A_130, %dma_wait3A_131] : memref<10240x128xf32, #tpu.memory_space<vmem_shared>> -> memref<10240x128xf32, #tpu.memory_space<vmem_shared>>
        tpu.wait_indirect_dma semaphore(%run_scoped3A : memref<!tpu.dma_semaphore, #tpu.memory_space<semaphore_mem>>) src(%arg11 : memref<80x128xf32, #tpu.memory_space<vmem>>) dst(%dma_wait3A_132 : memref<10240x128xf32, #tpu.memory_space<vmem_shared>>)
        tpu.yield
      }) : () -> ()
      "tpu.region"() ({
        %run_scoped3A = tpu.sem_alloc : memref<!tpu.dma_semaphore, #tpu.memory_space<semaphore_mem>>
        %dma_start3A_127 = arith.constant 0 : i32
        %dma_start3A_128 = arith.constant 0 : i32
        %dma_start3A_129 = tpu.memref_slice %arg14[%dma_start3A_127, %dma_start3A_128] : memref<1280x128xf32, #tpu.memory_space<vmem_shared>> -> memref<1280x128xf32, #tpu.memory_space<vmem_shared>>
        tpu.enqueue_indirect_dma source(%arg12 : memref<80x128xf32, #tpu.memory_space<vmem>>) target(%dma_start3A_129 : memref<1280x128xf32, #tpu.memory_space<vmem_shared>>) offsets(%arg9 : memref<80xi32, #tpu.memory_space<vmem>>) semaphore(%run_scoped3A : memref<!tpu.dma_semaphore, #tpu.memory_space<semaphore_mem>>) {add = true}
        %dma_wait3A_130 = arith.constant 0 : i32
        %dma_wait3A_131 = arith.constant 0 : i32
        %dma_wait3A_132 = tpu.memref_slice %arg14[%dma_wait3A_130, %dma_wait3A_131] : memref<1280x128xf32, #tpu.memory_space<vmem_shared>> -> memref<1280x128xf32, #tpu.memory_space<vmem_shared>>
        tpu.wait_indirect_dma semaphore(%run_scoped3A : memref<!tpu.dma_semaphore, #tpu.memory_space<semaphore_mem>>) src(%arg12 : memref<80x128xf32, #tpu.memory_space<vmem>>) dst(%dma_wait3A_132 : memref<1280x128xf32, #tpu.memory_space<vmem_shared>>)
        tpu.yield
      }) : () -> ()
      %add3A_125 = arith.constant 80 : i32
      %add3A_126 = arith.addi %while3A_69, %add3A_125 : i32
      scf.yield %add3A_126 : i32
    }
    %while3A_61 = arith.constant 1 : i32
    %while3A_62 = scf.for %while3A_68 = %while3A_58 to %while3A_54 step %while3A_61 iter_args(%while3A_69 = %while3A_60) -> (i32)  : i32 {
      %multiple_of3A = tpu.assume_multiple %while3A_69, 8 : i32
      "tpu.region"() ({
        %run_scoped3A = tpu.sem_alloc : memref<!tpu.dma_semaphore, #tpu.memory_space<semaphore_mem>>
        %dma_start3A_127 = tpu.memref_slice %arg3[%multiple_of3A] : memref<320000xi32, #tpu.memory_space<hbm>> -> memref<80xi32, #tpu.memory_space<hbm>>
        %dma_start3A_128 = tpu.memref_slice %arg3[%multiple_of3A] : memref<320000xi32, #tpu.memory_space<hbm>> -> memref<80xi32, #tpu.memory_space<hbm>>
        tpu.enqueue_dma source(%dma_start3A_128 : memref<80xi32, #tpu.memory_space<hbm>>) target(%arg7 : memref<80xi32, #tpu.memory_space<vmem>>) target_semaphore(%run_scoped3A : memref<!tpu.dma_semaphore, #tpu.memory_space<semaphore_mem>>)
        %dma_wait3A_129 = tpu.memref_slice %arg3[%multiple_of3A] : memref<320000xi32, #tpu.memory_space<hbm>> -> memref<80xi32, #tpu.memory_space<hbm>>
        %dma_wait3A_130 = tpu.memref_slice %arg3[%multiple_of3A] : memref<320000xi32, #tpu.memory_space<hbm>> -> memref<80xi32, #tpu.memory_space<hbm>>
        tpu.wait_dma2 semaphore(%run_scoped3A : memref<!tpu.dma_semaphore, #tpu.memory_space<semaphore_mem>>) src(%dma_wait3A_130 : memref<80xi32, #tpu.memory_space<hbm>>) dst(%arg7 : memref<80xi32, #tpu.memory_space<vmem>>)
        tpu.yield
      }) : () -> ()
      "tpu.region"() ({
        %run_scoped3A = tpu.sem_alloc : memref<!tpu.dma_semaphore, #tpu.memory_space<semaphore_mem>>
        %dma_start3A_127 = tpu.memref_slice %arg4[%multiple_of3A] : memref<320000xi32, #tpu.memory_space<hbm>> -> memref<80xi32, #tpu.memory_space<hbm>>
        %dma_start3A_128 = tpu.memref_slice %arg4[%multiple_of3A] : memref<320000xi32, #tpu.memory_space<hbm>> -> memref<80xi32, #tpu.memory_space<hbm>>
        tpu.enqueue_dma source(%dma_start3A_128 : memref<80xi32, #tpu.memory_space<hbm>>) target(%arg8 : memref<80xi32, #tpu.memory_space<vmem>>) target_semaphore(%run_scoped3A : memref<!tpu.dma_semaphore, #tpu.memory_space<semaphore_mem>>)
        %dma_wait3A_129 = tpu.memref_slice %arg4[%multiple_of3A] : memref<320000xi32, #tpu.memory_space<hbm>> -> memref<80xi32, #tpu.memory_space<hbm>>
        %dma_wait3A_130 = tpu.memref_slice %arg4[%multiple_of3A] : memref<320000xi32, #tpu.memory_space<hbm>> -> memref<80xi32, #tpu.memory_space<hbm>>
        tpu.wait_dma2 semaphore(%run_scoped3A : memref<!tpu.dma_semaphore, #tpu.memory_space<semaphore_mem>>) src(%dma_wait3A_130 : memref<80xi32, #tpu.memory_space<hbm>>) dst(%arg8 : memref<80xi32, #tpu.memory_space<vmem>>)
        tpu.yield
      }) : () -> ()
      %dma_start3A = arith.constant 0 : i32
      %dma_start3A_70 = arith.constant 0 : i32
      %dma_start3A_71 = tpu.memref_slice %arg2[%dma_start3A, %dma_start3A_70] : memref<10000x128xf32, #tpu.memory_space<hbm>> -> memref<10000x128xf32, #tpu.memory_space<hbm>>
      tpu.enqueue_indirect_dma source(%dma_start3A_71 : memref<10000x128xf32, #tpu.memory_space<hbm>>) target(%arg10 : memref<80x128xf32, #tpu.memory_space<vmem>>) offsets(%arg7 : memref<80xi32, #tpu.memory_space<vmem>>) semaphore(%arg15 : memref<!tpu.dma_semaphore, #tpu.memory_space<semaphore_mem>>)
      %dma_wait3A = arith.constant 0 : i32
      %dma_wait3A_72 = arith.constant 0 : i32
      %dma_wait3A_73 = tpu.memref_slice %arg2[%dma_wait3A, %dma_wait3A_72] : memref<10000x128xf32, #tpu.memory_space<hbm>> -> memref<10000x128xf32, #tpu.memory_space<hbm>>
      tpu.wait_indirect_dma semaphore(%arg15 : memref<!tpu.dma_semaphore, #tpu.memory_space<semaphore_mem>>) src(%dma_wait3A_73 : memref<10000x128xf32, #tpu.memory_space<hbm>>) dst(%arg10 : memref<80x128xf32, #tpu.memory_space<vmem>>)
      %dma_start3A_74 = arith.constant 0 : i32
      %dma_start3A_75 = arith.constant 0 : i32
      %dma_start3A_76 = tpu.memref_slice %arg2[%dma_start3A_74, %dma_start3A_75] : memref<10000x128xf32, #tpu.memory_space<hbm>> -> memref<10000x128xf32, #tpu.memory_space<hbm>>
      tpu.enqueue_indirect_dma source(%dma_start3A_76 : memref<10000x128xf32, #tpu.memory_space<hbm>>) target(%arg11 : memref<80x128xf32, #tpu.memory_space<vmem>>) offsets(%arg8 : memref<80xi32, #tpu.memory_space<vmem>>) semaphore(%arg15 : memref<!tpu.dma_semaphore, #tpu.memory_space<semaphore_mem>>)
      %dma_wait3A_77 = arith.constant 0 : i32
      %dma_wait3A_78 = arith.constant 0 : i32
      %dma_wait3A_79 = tpu.memref_slice %arg2[%dma_wait3A_77, %dma_wait3A_78] : memref<10000x128xf32, #tpu.memory_space<hbm>> -> memref<10000x128xf32, #tpu.memory_space<hbm>>
      tpu.wait_indirect_dma semaphore(%arg15 : memref<!tpu.dma_semaphore, #tpu.memory_space<semaphore_mem>>) src(%dma_wait3A_79 : memref<10000x128xf32, #tpu.memory_space<hbm>>) dst(%arg11 : memref<80x128xf32, #tpu.memory_space<vmem>>)
      %get3A = arith.constant 0 : index
      %get3A_80 = tpu.vector_load %arg8[%get3A] {strides = array<i32>} : memref<80xi32, #tpu.memory_space<vmem>>, vector<16xi32>,
      %shift_right_logical3A = arith.constant 3 : i32
      %shift_right_logical3A_81 = vector.broadcast %shift_right_logical3A : i32 to vector<16xi32>
      %shift_right_logical3A_82 = arith.shrui %get3A_80, %shift_right_logical3A_81 : vector<16xi32>
      %swap3A = arith.constant 0 : index
      %swap3A_83 = tpu.vector_load %arg9[%swap3A] {strides = array<i32>} : memref<80xi32, #tpu.memory_space<vmem>>, vector<16xi32>,
      tpu.vector_store %arg9[%swap3A], %shift_right_logical3A_82 {strides = array<i32>} : memref<80xi32, #tpu.memory_space<vmem>>, vector<16xi32>,
      %get3A_84 = arith.constant 16 : index
      %get3A_85 = tpu.vector_load %arg8[%get3A_84] {strides = array<i32>} : memref<80xi32, #tpu.memory_space<vmem>>, vector<16xi32>,
      %shift_right_logical3A_86 = arith.constant 3 : i32
      %shift_right_logical3A_87 = vector.broadcast %shift_right_logical3A_86 : i32 to vector<16xi32>
      %shift_right_logical3A_88 = arith.shrui %get3A_85, %shift_right_logical3A_87 : vector<16xi32>
      %swap3A_89 = arith.constant 16 : index
      %swap3A_90 = tpu.vector_load %arg9[%swap3A_89] {strides = array<i32>} : memref<80xi32, #tpu.memory_space<vmem>>, vector<16xi32>,
      tpu.vector_store %arg9[%swap3A_89], %shift_right_logical3A_88 {strides = array<i32>} : memref<80xi32, #tpu.memory_space<vmem>>, vector<16xi32>,
      %get3A_91 = arith.constant 32 : index
      %get3A_92 = tpu.vector_load %arg8[%get3A_91] {strides = array<i32>} : memref<80xi32, #tpu.memory_space<vmem>>, vector<16xi32>,
      %shift_right_logical3A_93 = arith.constant 3 : i32
      %shift_right_logical3A_94 = vector.broadcast %shift_right_logical3A_93 : i32 to vector<16xi32>
      %shift_right_logical3A_95 = arith.shrui %get3A_92, %shift_right_logical3A_94 : vector<16xi32>
      %swap3A_96 = arith.constant 32 : index
      %swap3A_97 = tpu.vector_load %arg9[%swap3A_96] {strides = array<i32>} : memref<80xi32, #tpu.memory_space<vmem>>, vector<16xi32>,
      tpu.vector_store %arg9[%swap3A_96], %shift_right_logical3A_95 {strides = array<i32>} : memref<80xi32, #tpu.memory_space<vmem>>, vector<16xi32>,
      %get3A_98 = arith.constant 48 : index
      %get3A_99 = tpu.vector_load %arg8[%get3A_98] {strides = array<i32>} : memref<80xi32, #tpu.memory_space<vmem>>, vector<16xi32>,
      %shift_right_logical3A_100 = arith.constant 3 : i32
      %shift_right_logical3A_101 = vector.broadcast %shift_right_logical3A_100 : i32 to vector<16xi32>
      %shift_right_logical3A_102 = arith.shrui %get3A_99, %shift_right_logical3A_101 : vector<16xi32>
      %swap3A_103 = arith.constant 48 : index
      %swap3A_104 = tpu.vector_load %arg9[%swap3A_103] {strides = array<i32>} : memref<80xi32, #tpu.memory_space<vmem>>, vector<16xi32>,
      tpu.vector_store %arg9[%swap3A_103], %shift_right_logical3A_102 {strides = array<i32>} : memref<80xi32, #tpu.memory_space<vmem>>, vector<16xi32>,
      %get3A_105 = arith.constant 64 : index
      %get3A_106 = tpu.vector_load %arg8[%get3A_105] {strides = array<i32>} : memref<80xi32, #tpu.memory_space<vmem>>, vector<16xi32>,
      %shift_right_logical3A_107 = arith.constant 3 : i32
      %shift_right_logical3A_108 = vector.broadcast %shift_right_logical3A_107 : i32 to vector<16xi32>
      %shift_right_logical3A_109 = arith.shrui %get3A_106, %shift_right_logical3A_108 : vector<16xi32>
      %swap3A_110 = arith.constant 64 : index
      %swap3A_111 = tpu.vector_load %arg9[%swap3A_110] {strides = array<i32>} : memref<80xi32, #tpu.memory_space<vmem>>, vector<16xi32>,
      tpu.vector_store %arg9[%swap3A_110], %shift_right_logical3A_109 {strides = array<i32>} : memref<80xi32, #tpu.memory_space<vmem>>, vector<16xi32>,
      %while3A_112 = arith.constant 0 : i32
      %while3A_113 = arith.constant 80 : i32
      %while3A_114 = arith.constant 0 : i32
      %while3A_115 = arith.subi %while3A_113, %while3A_112 : i32
      %while3A_116 = arith.addi %while3A_112, %while3A_115 : i32
      %while3A_117 = arith.constant 1 : i32
      %while3A_118 = arith.divsi %while3A_115, %while3A_117 : i32
      %while3A_119 = arith.muli %while3A_118, %while3A_117 : i32
      %while3A_120 = arith.addi %while3A_112, %while3A_119 : i32
      %while3A_121 = arith.constant 1 : i32
      %while3A_122 = scf.for %while3A_127 = %while3A_112 to %while3A_120 step %while3A_121 iter_args(%while3A_128 = %while3A_114) -> (i32)  : i32 {
        %get3A_129 = arith.index_cast %while3A_128 : i32 to index
        %get3A_130 = arith.constant 0 : index
        %get3A_131 = tpu.vector_load %arg10[%get3A_129, %get3A_130] {strides = array<i32>} : memref<80x128xf32, #tpu.memory_space<vmem>>, vector<16xf32>,
        %get3A_132 = arith.index_cast %while3A_128 : i32 to index
        %get3A_133 = arith.constant 16 : index
        %get3A_134 = tpu.vector_load %arg10[%get3A_132, %get3A_133] {strides = array<i32>} : memref<80x128xf32, #tpu.memory_space<vmem>>, vector<16xf32>,
        %get3A_135 = arith.index_cast %while3A_128 : i32 to index
        %get3A_136 = arith.constant 32 : index
        %get3A_137 = tpu.vector_load %arg10[%get3A_135, %get3A_136] {strides = array<i32>} : memref<80x128xf32, #tpu.memory_space<vmem>>, vector<16xf32>,
        %get3A_138 = arith.index_cast %while3A_128 : i32 to index
        %get3A_139 = arith.constant 48 : index
        %get3A_140 = tpu.vector_load %arg10[%get3A_138, %get3A_139] {strides = array<i32>} : memref<80x128xf32, #tpu.memory_space<vmem>>, vector<16xf32>,
        %get3A_141 = arith.index_cast %while3A_128 : i32 to index
        %get3A_142 = arith.constant 64 : index
        %get3A_143 = tpu.vector_load %arg10[%get3A_141, %get3A_142] {strides = array<i32>} : memref<80x128xf32, #tpu.memory_space<vmem>>, vector<16xf32>,
        %get3A_144 = arith.index_cast %while3A_128 : i32 to index
        %get3A_145 = arith.constant 80 : index
        %get3A_146 = tpu.vector_load %arg10[%get3A_144, %get3A_145] {strides = array<i32>} : memref<80x128xf32, #tpu.memory_space<vmem>>, vector<16xf32>,
        %get3A_147 = arith.index_cast %while3A_128 : i32 to index
        %get3A_148 = arith.constant 96 : index
        %get3A_149 = tpu.vector_load %arg10[%get3A_147, %get3A_148] {strides = array<i32>} : memref<80x128xf32, #tpu.memory_space<vmem>>, vector<16xf32>,
        %get3A_150 = arith.index_cast %while3A_128 : i32 to index
        %get3A_151 = arith.constant 112 : index
        %get3A_152 = tpu.vector_load %arg10[%get3A_150, %get3A_151] {strides = array<i32>} : memref<80x128xf32, #tpu.memory_space<vmem>>, vector<16xf32>,
        %get3A_153 = arith.index_cast %while3A_128 : i32 to index
        %get3A_154 = arith.constant 0 : index
        %get3A_155 = tpu.vector_load %arg11[%get3A_153, %get3A_154] {strides = array<i32>} : memref<80x128xf32, #tpu.memory_space<vmem>>, vector<16xf32>,
        %get3A_156 = arith.index_cast %while3A_128 : i32 to index
        %get3A_157 = arith.constant 16 : index
        %get3A_158 = tpu.vector_load %arg11[%get3A_156, %get3A_157] {strides = array<i32>} : memref<80x128xf32, #tpu.memory_space<vmem>>, vector<16xf32>,
        %get3A_159 = arith.index_cast %while3A_128 : i32 to index
        %get3A_160 = arith.constant 32 : index
        %get3A_161 = tpu.vector_load %arg11[%get3A_159, %get3A_160] {strides = array<i32>} : memref<80x128xf32, #tpu.memory_space<vmem>>, vector<16xf32>,
        %get3A_162 = arith.index_cast %while3A_128 : i32 to index
        %get3A_163 = arith.constant 48 : index
        %get3A_164 = tpu.vector_load %arg11[%get3A_162, %get3A_163] {strides = array<i32>} : memref<80x128xf32, #tpu.memory_space<vmem>>, vector<16xf32>,
        %get3A_165 = arith.index_cast %while3A_128 : i32 to index
        %get3A_166 = arith.constant 64 : index
        %get3A_167 = tpu.vector_load %arg11[%get3A_165, %get3A_166] {strides = array<i32>} : memref<80x128xf32, #tpu.memory_space<vmem>>, vector<16xf32>,
        %get3A_168 = arith.index_cast %while3A_128 : i32 to index
        %get3A_169 = arith.constant 80 : index
        %get3A_170 = tpu.vector_load %arg11[%get3A_168, %get3A_169] {strides = array<i32>} : memref<80x128xf32, #tpu.memory_space<vmem>>, vector<16xf32>,
        %get3A_171 = arith.index_cast %while3A_128 : i32 to index
        %get3A_172 = arith.constant 96 : index
        %get3A_173 = tpu.vector_load %arg11[%get3A_171, %get3A_172] {strides = array<i32>} : memref<80x128xf32, #tpu.memory_space<vmem>>, vector<16xf32>,
        %get3A_174 = arith.index_cast %while3A_128 : i32 to index
        %get3A_175 = arith.constant 112 : index
        %get3A_176 = tpu.vector_load %arg11[%get3A_174, %get3A_175] {strides = array<i32>} : memref<80x128xf32, #tpu.memory_space<vmem>>, vector<16xf32>,
        %broadcast_in_dim3A_177 = vector.broadcast %while3A_128 : i32 to vector<16xi32>
        %gather3A = tpu.vector_load_idx %arg8[%broadcast_in_dim3A_177] : memref<80xi32, #tpu.memory_space<vmem>>[vector<16xi32>], vector<16xi32>,
        %and3A = arith.constant 7 : i32
        %and3A_178 = vector.broadcast %and3A : i32 to vector<16xi32>
        %and3A_179 = arith.andi %gather3A, %and3A_178 : vector<16xi32>
        %mul3A_180 = arith.mulf %get3A_131, %get3A_155 : vector<16xf32>
        %mul3A_181 = arith.mulf %get3A_134, %get3A_158 : vector<16xf32>
        %add3A_182 = arith.addf %mul3A_180, %mul3A_181 : vector<16xf32>
        %reduce_sum3A = arith.constant true
        %reduce_sum3A_183 = vector.broadcast %reduce_sum3A : i1 to vector<16xi1>
        %reduce_sum3A_184 = tpu.scan <sum>, %add3A_182 masked %reduce_sum3A_183 : vector<16xf32>, vector<16xi1> -> vector<16xf32>
        %reduce_sum3A_185 = vector.extract %reduce_sum3A_184[15] : f32 from vector<16xf32>
        %mul3A_186 = arith.mulf %reduce_sum3A_185, %while3A_50 : f32
        %broadcast_in_dim3A_187 = vector.broadcast %mul3A_186 : f32 to vector<16xf32>
        %exp3A = math.exp %broadcast_in_dim3A_187 : vector<16xf32>
        %mul3A_188 = arith.mulf %get3A_131, %exp3A : vector<16xf32>
        %swap3A_189 = arith.index_cast %while3A_128 : i32 to index
        %swap3A_190 = arith.constant 0 : index
        %swap3A_191 = tpu.vector_load %arg11[%swap3A_189, %swap3A_190] {strides = array<i32>} : memref<80x128xf32, #tpu.memory_space<vmem>>, vector<16xf32>,
        tpu.vector_store %arg11[%swap3A_189, %swap3A_190], %mul3A_188 {strides = array<i32>} : memref<80x128xf32, #tpu.memory_space<vmem>>, vector<16xf32>,
        %mul3A_192 = arith.mulf %get3A_134, %exp3A : vector<16xf32>
        %swap3A_193 = arith.index_cast %while3A_128 : i32 to index
        %swap3A_194 = arith.constant 16 : index
        %swap3A_195 = tpu.vector_load %arg11[%swap3A_193, %swap3A_194] {strides = array<i32>} : memref<80x128xf32, #tpu.memory_space<vmem>>, vector<16xf32>,
        tpu.vector_store %arg11[%swap3A_193, %swap3A_194], %mul3A_192 {strides = array<i32>} : memref<80x128xf32, #tpu.memory_space<vmem>>, vector<16xf32>,
        %mul3A_196 = arith.mulf %get3A_137, %get3A_161 : vector<16xf32>
        %mul3A_197 = arith.mulf %get3A_140, %get3A_164 : vector<16xf32>
        %add3A_198 = arith.addf %mul3A_196, %mul3A_197 : vector<16xf32>
        %reduce_sum3A_199 = arith.constant true
        %reduce_sum3A_200 = vector.broadcast %reduce_sum3A_199 : i1 to vector<16xi1>
        %reduce_sum3A_201 = tpu.scan <sum>, %add3A_198 masked %reduce_sum3A_200 : vector<16xf32>, vector<16xi1> -> vector<16xf32>
        %reduce_sum3A_202 = vector.extract %reduce_sum3A_201[15] : f32 from vector<16xf32>
        %mul3A_203 = arith.mulf %reduce_sum3A_202, %while3A_50 : f32
        %broadcast_in_dim3A_204 = vector.broadcast %mul3A_203 : f32 to vector<16xf32>
        %exp3A_205 = math.exp %broadcast_in_dim3A_204 : vector<16xf32>
        %mul3A_206 = arith.mulf %get3A_137, %exp3A_205 : vector<16xf32>
        %swap3A_207 = arith.index_cast %while3A_128 : i32 to index
        %swap3A_208 = arith.constant 32 : index
        %swap3A_209 = tpu.vector_load %arg11[%swap3A_207, %swap3A_208] {strides = array<i32>} : memref<80x128xf32, #tpu.memory_space<vmem>>, vector<16xf32>,
        tpu.vector_store %arg11[%swap3A_207, %swap3A_208], %mul3A_206 {strides = array<i32>} : memref<80x128xf32, #tpu.memory_space<vmem>>, vector<16xf32>,
        %mul3A_210 = arith.mulf %get3A_140, %exp3A_205 : vector<16xf32>
        %swap3A_211 = arith.index_cast %while3A_128 : i32 to index
        %swap3A_212 = arith.constant 48 : index
        %swap3A_213 = tpu.vector_load %arg11[%swap3A_211, %swap3A_212] {strides = array<i32>} : memref<80x128xf32, #tpu.memory_space<vmem>>, vector<16xf32>,
        tpu.vector_store %arg11[%swap3A_211, %swap3A_212], %mul3A_210 {strides = array<i32>} : memref<80x128xf32, #tpu.memory_space<vmem>>, vector<16xf32>,
        %mul3A_214 = arith.mulf %get3A_143, %get3A_167 : vector<16xf32>
        %mul3A_215 = arith.mulf %get3A_146, %get3A_170 : vector<16xf32>
        %add3A_216 = arith.addf %mul3A_214, %mul3A_215 : vector<16xf32>
        %reduce_sum3A_217 = arith.constant true
        %reduce_sum3A_218 = vector.broadcast %reduce_sum3A_217 : i1 to vector<16xi1>
        %reduce_sum3A_219 = tpu.scan <sum>, %add3A_216 masked %reduce_sum3A_218 : vector<16xf32>, vector<16xi1> -> vector<16xf32>
        %reduce_sum3A_220 = vector.extract %reduce_sum3A_219[15] : f32 from vector<16xf32>
        %mul3A_221 = arith.mulf %reduce_sum3A_220, %while3A_50 : f32
        %broadcast_in_dim3A_222 = vector.broadcast %mul3A_221 : f32 to vector<16xf32>
        %exp3A_223 = math.exp %broadcast_in_dim3A_222 : vector<16xf32>
        %mul3A_224 = arith.mulf %get3A_143, %exp3A_223 : vector<16xf32>
        %swap3A_225 = arith.index_cast %while3A_128 : i32 to index
        %swap3A_226 = arith.constant 64 : index
        %swap3A_227 = tpu.vector_load %arg11[%swap3A_225, %swap3A_226] {strides = array<i32>} : memref<80x128xf32, #tpu.memory_space<vmem>>, vector<16xf32>,
        tpu.vector_store %arg11[%swap3A_225, %swap3A_226], %mul3A_224 {strides = array<i32>} : memref<80x128xf32, #tpu.memory_space<vmem>>, vector<16xf32>,
        %mul3A_228 = arith.mulf %get3A_146, %exp3A_223 : vector<16xf32>
        %swap3A_229 = arith.index_cast %while3A_128 : i32 to index
        %swap3A_230 = arith.constant 80 : index
        %swap3A_231 = tpu.vector_load %arg11[%swap3A_229, %swap3A_230] {strides = array<i32>} : memref<80x128xf32, #tpu.memory_space<vmem>>, vector<16xf32>,
        tpu.vector_store %arg11[%swap3A_229, %swap3A_230], %mul3A_228 {strides = array<i32>} : memref<80x128xf32, #tpu.memory_space<vmem>>, vector<16xf32>,
        %mul3A_232 = arith.mulf %get3A_149, %get3A_173 : vector<16xf32>
        %mul3A_233 = arith.mulf %get3A_152, %get3A_176 : vector<16xf32>
        %add3A_234 = arith.addf %mul3A_232, %mul3A_233 : vector<16xf32>
        %reduce_sum3A_235 = arith.constant true
        %reduce_sum3A_236 = vector.broadcast %reduce_sum3A_235 : i1 to vector<16xi1>
        %reduce_sum3A_237 = tpu.scan <sum>, %add3A_234 masked %reduce_sum3A_236 : vector<16xf32>, vector<16xi1> -> vector<16xf32>
        %reduce_sum3A_238 = vector.extract %reduce_sum3A_237[15] : f32 from vector<16xf32>
        %mul3A_239 = arith.mulf %reduce_sum3A_238, %while3A_50 : f32
        %broadcast_in_dim3A_240 = vector.broadcast %mul3A_239 : f32 to vector<16xf32>
        %exp3A_241 = math.exp %broadcast_in_dim3A_240 : vector<16xf32>
        %mul3A_242 = arith.mulf %get3A_149, %exp3A_241 : vector<16xf32>
        %swap3A_243 = arith.index_cast %while3A_128 : i32 to index
        %swap3A_244 = arith.constant 96 : index
        %swap3A_245 = tpu.vector_load %arg11[%swap3A_243, %swap3A_244] {strides = array<i32>} : memref<80x128xf32, #tpu.memory_space<vmem>>, vector<16xf32>,
        tpu.vector_store %arg11[%swap3A_243, %swap3A_244], %mul3A_242 {strides = array<i32>} : memref<80x128xf32, #tpu.memory_space<vmem>>, vector<16xf32>,
        %mul3A_246 = arith.mulf %get3A_152, %exp3A_241 : vector<16xf32>
        %swap3A_247 = arith.index_cast %while3A_128 : i32 to index
        %swap3A_248 = arith.constant 112 : index
        %swap3A_249 = tpu.vector_load %arg11[%swap3A_247, %swap3A_248] {strides = array<i32>} : memref<80x128xf32, #tpu.memory_space<vmem>>, vector<16xf32>,
        tpu.vector_store %arg11[%swap3A_247, %swap3A_248], %mul3A_246 {strides = array<i32>} : memref<80x128xf32, #tpu.memory_space<vmem>>, vector<16xf32>,
        %eq3A = arith.constant 0 : i32
        %eq3A_250 = vector.broadcast %eq3A : i32 to vector<16xi32>
        %eq3A_251 = arith.cmpi eq, %iota3A, %eq3A_250 : vector<16xi32>
        %eq3A_252 = arith.constant 1 : i32
        %eq3A_253 = vector.broadcast %eq3A_252 : i32 to vector<16xi32>
        %eq3A_254 = arith.cmpi eq, %iota3A, %eq3A_253 : vector<16xi32>
        %eq3A_255 = arith.constant 2 : i32
        %eq3A_256 = vector.broadcast %eq3A_255 : i32 to vector<16xi32>
        %eq3A_257 = arith.cmpi eq, %iota3A, %eq3A_256 : vector<16xi32>
        %eq3A_258 = arith.constant 3 : i32
        %eq3A_259 = vector.broadcast %eq3A_258 : i32 to vector<16xi32>
        %eq3A_260 = arith.cmpi eq, %iota3A, %eq3A_259 : vector<16xi32>
        %select_n3A = arith.select %eq3A_260, %exp3A_241, %broadcast_in_dim3A_1 : vector<16xi1>, vector<16xf32>
        %select_n3A_261 = arith.select %eq3A_257, %exp3A_223, %select_n3A : vector<16xi1>, vector<16xf32>
        %select_n3A_262 = arith.select %eq3A_254, %exp3A_205, %select_n3A_261 : vector<16xi1>, vector<16xf32>
        %select_n3A_263 = arith.select %eq3A_251, %exp3A, %select_n3A_262 : vector<16xi1>, vector<16xf32>
        %eq3A_264 = arith.constant 0 : i32
        %eq3A_265 = vector.broadcast %eq3A_264 : i32 to vector<16xi32>
        %eq3A_266 = arith.cmpi eq, %and3A_179, %eq3A_265 : vector<16xi32>
        %select_n3A_267 = arith.select %eq3A_266, %select_n3A_263, %broadcast_in_dim3A_1 : vector<16xi1>, vector<16xf32>
        %swap3A_268 = arith.index_cast %while3A_128 : i32 to index
        %swap3A_269 = arith.constant 0 : index
        %swap3A_270 = tpu.vector_load %arg12[%swap3A_268, %swap3A_269] {strides = array<i32>} : memref<80x128xf32, #tpu.memory_space<vmem>>, vector<16xf32>,
        tpu.vector_store %arg12[%swap3A_268, %swap3A_269], %select_n3A_267 {strides = array<i32>} : memref<80x128xf32, #tpu.memory_space<vmem>>, vector<16xf32>,
        %eq3A_271 = arith.constant 1 : i32
        %eq3A_272 = vector.broadcast %eq3A_271 : i32 to vector<16xi32>
        %eq3A_273 = arith.cmpi eq, %and3A_179, %eq3A_272 : vector<16xi32>
        %select_n3A_274 = arith.select %eq3A_273, %select_n3A_263, %broadcast_in_dim3A_1 : vector<16xi1>, vector<16xf32>
        %swap3A_275 = arith.index_cast %while3A_128 : i32 to index
        %swap3A_276 = arith.constant 16 : index
        %swap3A_277 = tpu.vector_load %arg12[%swap3A_275, %swap3A_276] {strides = array<i32>} : memref<80x128xf32, #tpu.memory_space<vmem>>, vector<16xf32>,
        tpu.vector_store %arg12[%swap3A_275, %swap3A_276], %select_n3A_274 {strides = array<i32>} : memref<80x128xf32, #tpu.memory_space<vmem>>, vector<16xf32>,
        %eq3A_278 = arith.constant 2 : i32
        %eq3A_279 = vector.broadcast %eq3A_278 : i32 to vector<16xi32>
        %eq3A_280 = arith.cmpi eq, %and3A_179, %eq3A_279 : vector<16xi32>
        %select_n3A_281 = arith.select %eq3A_280, %select_n3A_263, %broadcast_in_dim3A_1 : vector<16xi1>, vector<16xf32>
        %swap3A_282 = arith.index_cast %while3A_128 : i32 to index
        %swap3A_283 = arith.constant 32 : index
        %swap3A_284 = tpu.vector_load %arg12[%swap3A_282, %swap3A_283] {strides = array<i32>} : memref<80x128xf32, #tpu.memory_space<vmem>>, vector<16xf32>,
        tpu.vector_store %arg12[%swap3A_282, %swap3A_283], %select_n3A_281 {strides = array<i32>} : memref<80x128xf32, #tpu.memory_space<vmem>>, vector<16xf32>,
        %eq3A_285 = arith.constant 3 : i32
        %eq3A_286 = vector.broadcast %eq3A_285 : i32 to vector<16xi32>
        %eq3A_287 = arith.cmpi eq, %and3A_179, %eq3A_286 : vector<16xi32>
        %select_n3A_288 = arith.select %eq3A_287, %select_n3A_263, %broadcast_in_dim3A_1 : vector<16xi1>, vector<16xf32>
        %swap3A_289 = arith.index_cast %while3A_128 : i32 to index
        %swap3A_290 = arith.constant 48 : index
        %swap3A_291 = tpu.vector_load %arg12[%swap3A_289, %swap3A_290] {strides = array<i32>} : memref<80x128xf32, #tpu.memory_space<vmem>>, vector<16xf32>,
        tpu.vector_store %arg12[%swap3A_289, %swap3A_290], %select_n3A_288 {strides = array<i32>} : memref<80x128xf32, #tpu.memory_space<vmem>>, vector<16xf32>,
        %eq3A_292 = arith.constant 4 : i32
        %eq3A_293 = vector.broadcast %eq3A_292 : i32 to vector<16xi32>
        %eq3A_294 = arith.cmpi eq, %and3A_179, %eq3A_293 : vector<16xi32>
        %select_n3A_295 = arith.select %eq3A_294, %select_n3A_263, %broadcast_in_dim3A_1 : vector<16xi1>, vector<16xf32>
        %swap3A_296 = arith.index_cast %while3A_128 : i32 to index
        %swap3A_297 = arith.constant 64 : index
        %swap3A_298 = tpu.vector_load %arg12[%swap3A_296, %swap3A_297] {strides = array<i32>} : memref<80x128xf32, #tpu.memory_space<vmem>>, vector<16xf32>,
        tpu.vector_store %arg12[%swap3A_296, %swap3A_297], %select_n3A_295 {strides = array<i32>} : memref<80x128xf32, #tpu.memory_space<vmem>>, vector<16xf32>,
        %eq3A_299 = arith.constant 5 : i32
        %eq3A_300 = vector.broadcast %eq3A_299 : i32 to vector<16xi32>
        %eq3A_301 = arith.cmpi eq, %and3A_179, %eq3A_300 : vector<16xi32>
        %select_n3A_302 = arith.select %eq3A_301, %select_n3A_263, %broadcast_in_dim3A_1 : vector<16xi1>, vector<16xf32>
        %swap3A_303 = arith.index_cast %while3A_128 : i32 to index
        %swap3A_304 = arith.constant 80 : index
        %swap3A_305 = tpu.vector_load %arg12[%swap3A_303, %swap3A_304] {strides = array<i32>} : memref<80x128xf32, #tpu.memory_space<vmem>>, vector<16xf32>,
        tpu.vector_store %arg12[%swap3A_303, %swap3A_304], %select_n3A_302 {strides = array<i32>} : memref<80x128xf32, #tpu.memory_space<vmem>>, vector<16xf32>,
        %eq3A_306 = arith.constant 6 : i32
        %eq3A_307 = vector.broadcast %eq3A_306 : i32 to vector<16xi32>
        %eq3A_308 = arith.cmpi eq, %and3A_179, %eq3A_307 : vector<16xi32>
        %select_n3A_309 = arith.select %eq3A_308, %select_n3A_263, %broadcast_in_dim3A_1 : vector<16xi1>, vector<16xf32>
        %swap3A_310 = arith.index_cast %while3A_128 : i32 to index
        %swap3A_311 = arith.constant 96 : index
        %swap3A_312 = tpu.vector_load %arg12[%swap3A_310, %swap3A_311] {strides = array<i32>} : memref<80x128xf32, #tpu.memory_space<vmem>>, vector<16xf32>,
        tpu.vector_store %arg12[%swap3A_310, %swap3A_311], %select_n3A_309 {strides = array<i32>} : memref<80x128xf32, #tpu.memory_space<vmem>>, vector<16xf32>,
        %eq3A_313 = arith.constant 7 : i32
        %eq3A_314 = vector.broadcast %eq3A_313 : i32 to vector<16xi32>
        %eq3A_315 = arith.cmpi eq, %and3A_179, %eq3A_314 : vector<16xi32>
        %select_n3A_316 = arith.select %eq3A_315, %select_n3A_263, %broadcast_in_dim3A_1 : vector<16xi1>, vector<16xf32>
        %swap3A_317 = arith.index_cast %while3A_128 : i32 to index
        %swap3A_318 = arith.constant 112 : index
        %swap3A_319 = tpu.vector_load %arg12[%swap3A_317, %swap3A_318] {strides = array<i32>} : memref<80x128xf32, #tpu.memory_space<vmem>>, vector<16xf32>,
        tpu.vector_store %arg12[%swap3A_317, %swap3A_318], %select_n3A_316 {strides = array<i32>} : memref<80x128xf32, #tpu.memory_space<vmem>>, vector<16xf32>,
        %add3A_320 = arith.constant 1 : i32
        %add3A_321 = arith.addi %while3A_128, %add3A_320 : i32
        scf.yield %add3A_321 : i32
      }
      %while3A_123 = arith.constant 1 : i32
      %while3A_124 = scf.for %while3A_127 = %while3A_120 to %while3A_116 step %while3A_123 iter_args(%while3A_128 = %while3A_122) -> (i32)  : i32 {
        %get3A_129 = arith.index_cast %while3A_128 : i32 to index
        %get3A_130 = arith.constant 0 : index
        %get3A_131 = tpu.vector_load %arg10[%get3A_129, %get3A_130] {strides = array<i32>} : memref<80x128xf32, #tpu.memory_space<vmem>>, vector<16xf32>,
        %get3A_132 = arith.index_cast %while3A_128 : i32 to index
        %get3A_133 = arith.constant 16 : index
        %get3A_134 = tpu.vector_load %arg10[%get3A_132, %get3A_133] {strides = array<i32>} : memref<80x128xf32, #tpu.memory_space<vmem>>, vector<16xf32>,
        %get3A_135 = arith.index_cast %while3A_128 : i32 to index
        %get3A_136 = arith.constant 32 : index
        %get3A_137 = tpu.vector_load %arg10[%get3A_135, %get3A_136] {strides = array<i32>} : memref<80x128xf32, #tpu.memory_space<vmem>>, vector<16xf32>,
        %get3A_138 = arith.index_cast %while3A_128 : i32 to index
        %get3A_139 = arith.constant 48 : index
        %get3A_140 = tpu.vector_load %arg10[%get3A_138, %get3A_139] {strides = array<i32>} : memref<80x128xf32, #tpu.memory_space<vmem>>, vector<16xf32>,
        %get3A_141 = arith.index_cast %while3A_128 : i32 to index
        %get3A_142 = arith.constant 64 : index
        %get3A_143 = tpu.vector_load %arg10[%get3A_141, %get3A_142] {strides = array<i32>} : memref<80x128xf32, #tpu.memory_space<vmem>>, vector<16xf32>,
        %get3A_144 = arith.index_cast %while3A_128 : i32 to index
        %get3A_145 = arith.constant 80 : index
        %get3A_146 = tpu.vector_load %arg10[%get3A_144, %get3A_145] {strides = array<i32>} : memref<80x128xf32, #tpu.memory_space<vmem>>, vector<16xf32>,
        %get3A_147 = arith.index_cast %while3A_128 : i32 to index
        %get3A_148 = arith.constant 96 : index
        %get3A_149 = tpu.vector_load %arg10[%get3A_147, %get3A_148] {strides = array<i32>} : memref<80x128xf32, #tpu.memory_space<vmem>>, vector<16xf32>,
        %get3A_150 = arith.index_cast %while3A_128 : i32 to index
        %get3A_151 = arith.constant 112 : index
        %get3A_152 = tpu.vector_load %arg10[%get3A_150, %get3A_151] {strides = array<i32>} : memref<80x128xf32, #tpu.memory_space<vmem>>, vector<16xf32>,
        %get3A_153 = arith.index_cast %while3A_128 : i32 to index
        %get3A_154 = arith.constant 0 : index
        %get3A_155 = tpu.vector_load %arg11[%get3A_153, %get3A_154] {strides = array<i32>} : memref<80x128xf32, #tpu.memory_space<vmem>>, vector<16xf32>,
        %get3A_156 = arith.index_cast %while3A_128 : i32 to index
        %get3A_157 = arith.constant 16 : index
        %get3A_158 = tpu.vector_load %arg11[%get3A_156, %get3A_157] {strides = array<i32>} : memref<80x128xf32, #tpu.memory_space<vmem>>, vector<16xf32>,
        %get3A_159 = arith.index_cast %while3A_128 : i32 to index
        %get3A_160 = arith.constant 32 : index
        %get3A_161 = tpu.vector_load %arg11[%get3A_159, %get3A_160] {strides = array<i32>} : memref<80x128xf32, #tpu.memory_space<vmem>>, vector<16xf32>,
        %get3A_162 = arith.index_cast %while3A_128 : i32 to index
        %get3A_163 = arith.constant 48 : index
        %get3A_164 = tpu.vector_load %arg11[%get3A_162, %get3A_163] {strides = array<i32>} : memref<80x128xf32, #tpu.memory_space<vmem>>, vector<16xf32>,
        %get3A_165 = arith.index_cast %while3A_128 : i32 to index
        %get3A_166 = arith.constant 64 : index
        %get3A_167 = tpu.vector_load %arg11[%get3A_165, %get3A_166] {strides = array<i32>} : memref<80x128xf32, #tpu.memory_space<vmem>>, vector<16xf32>,
        %get3A_168 = arith.index_cast %while3A_128 : i32 to index
        %get3A_169 = arith.constant 80 : index
        %get3A_170 = tpu.vector_load %arg11[%get3A_168, %get3A_169] {strides = array<i32>} : memref<80x128xf32, #tpu.memory_space<vmem>>, vector<16xf32>,
        %get3A_171 = arith.index_cast %while3A_128 : i32 to index
        %get3A_172 = arith.constant 96 : index
        %get3A_173 = tpu.vector_load %arg11[%get3A_171, %get3A_172] {strides = array<i32>} : memref<80x128xf32, #tpu.memory_space<vmem>>, vector<16xf32>,
        %get3A_174 = arith.index_cast %while3A_128 : i32 to index
        %get3A_175 = arith.constant 112 : index
        %get3A_176 = tpu.vector_load %arg11[%get3A_174, %get3A_175] {strides = array<i32>} : memref<80x128xf32, #tpu.memory_space<vmem>>, vector<16xf32>,
        %broadcast_in_dim3A_177 = vector.broadcast %while3A_128 : i32 to vector<16xi32>
        %gather3A = tpu.vector_load_idx %arg8[%broadcast_in_dim3A_177] : memref<80xi32, #tpu.memory_space<vmem>>[vector<16xi32>], vector<16xi32>,
        %and3A = arith.constant 7 : i32
        %and3A_178 = vector.broadcast %and3A : i32 to vector<16xi32>
        %and3A_179 = arith.andi %gather3A, %and3A_178 : vector<16xi32>
        %mul3A_180 = arith.mulf %get3A_131, %get3A_155 : vector<16xf32>
        %mul3A_181 = arith.mulf %get3A_134, %get3A_158 : vector<16xf32>
        %add3A_182 = arith.addf %mul3A_180, %mul3A_181 : vector<16xf32>
        %reduce_sum3A = arith.constant true
        %reduce_sum3A_183 = vector.broadcast %reduce_sum3A : i1 to vector<16xi1>
        %reduce_sum3A_184 = tpu.scan <sum>, %add3A_182 masked %reduce_sum3A_183 : vector<16xf32>, vector<16xi1> -> vector<16xf32>
        %reduce_sum3A_185 = vector.extract %reduce_sum3A_184[15] : f32 from vector<16xf32>
        %mul3A_186 = arith.mulf %reduce_sum3A_185, %while3A_50 : f32
        %broadcast_in_dim3A_187 = vector.broadcast %mul3A_186 : f32 to vector<16xf32>
        %exp3A = math.exp %broadcast_in_dim3A_187 : vector<16xf32>
        %mul3A_188 = arith.mulf %get3A_131, %exp3A : vector<16xf32>
        %swap3A_189 = arith.index_cast %while3A_128 : i32 to index
        %swap3A_190 = arith.constant 0 : index
        %swap3A_191 = tpu.vector_load %arg11[%swap3A_189, %swap3A_190] {strides = array<i32>} : memref<80x128xf32, #tpu.memory_space<vmem>>, vector<16xf32>,
        tpu.vector_store %arg11[%swap3A_189, %swap3A_190], %mul3A_188 {strides = array<i32>} : memref<80x128xf32, #tpu.memory_space<vmem>>, vector<16xf32>,
        %mul3A_192 = arith.mulf %get3A_134, %exp3A : vector<16xf32>
        %swap3A_193 = arith.index_cast %while3A_128 : i32 to index
        %swap3A_194 = arith.constant 16 : index
        %swap3A_195 = tpu.vector_load %arg11[%swap3A_193, %swap3A_194] {strides = array<i32>} : memref<80x128xf32, #tpu.memory_space<vmem>>, vector<16xf32>,
        tpu.vector_store %arg11[%swap3A_193, %swap3A_194], %mul3A_192 {strides = array<i32>} : memref<80x128xf32, #tpu.memory_space<vmem>>, vector<16xf32>,
        %mul3A_196 = arith.mulf %get3A_137, %get3A_161 : vector<16xf32>
        %mul3A_197 = arith.mulf %get3A_140, %get3A_164 : vector<16xf32>
        %add3A_198 = arith.addf %mul3A_196, %mul3A_197 : vector<16xf32>
        %reduce_sum3A_199 = arith.constant true
        %reduce_sum3A_200 = vector.broadcast %reduce_sum3A_199 : i1 to vector<16xi1>
        %reduce_sum3A_201 = tpu.scan <sum>, %add3A_198 masked %reduce_sum3A_200 : vector<16xf32>, vector<16xi1> -> vector<16xf32>
        %reduce_sum3A_202 = vector.extract %reduce_sum3A_201[15] : f32 from vector<16xf32>
        %mul3A_203 = arith.mulf %reduce_sum3A_202, %while3A_50 : f32
        %broadcast_in_dim3A_204 = vector.broadcast %mul3A_203 : f32 to vector<16xf32>
        %exp3A_205 = math.exp %broadcast_in_dim3A_204 : vector<16xf32>
        %mul3A_206 = arith.mulf %get3A_137, %exp3A_205 : vector<16xf32>
        %swap3A_207 = arith.index_cast %while3A_128 : i32 to index
        %swap3A_208 = arith.constant 32 : index
        %swap3A_209 = tpu.vector_load %arg11[%swap3A_207, %swap3A_208] {strides = array<i32>} : memref<80x128xf32, #tpu.memory_space<vmem>>, vector<16xf32>,
        tpu.vector_store %arg11[%swap3A_207, %swap3A_208], %mul3A_206 {strides = array<i32>} : memref<80x128xf32, #tpu.memory_space<vmem>>, vector<16xf32>,
        %mul3A_210 = arith.mulf %get3A_140, %exp3A_205 : vector<16xf32>
        %swap3A_211 = arith.index_cast %while3A_128 : i32 to index
        %swap3A_212 = arith.constant 48 : index
        %swap3A_213 = tpu.vector_load %arg11[%swap3A_211, %swap3A_212] {strides = array<i32>} : memref<80x128xf32, #tpu.memory_space<vmem>>, vector<16xf32>,
        tpu.vector_store %arg11[%swap3A_211, %swap3A_212], %mul3A_210 {strides = array<i32>} : memref<80x128xf32, #tpu.memory_space<vmem>>, vector<16xf32>,
        %mul3A_214 = arith.mulf %get3A_143, %get3A_167 : vector<16xf32>
        %mul3A_215 = arith.mulf %get3A_146, %get3A_170 : vector<16xf32>
        %add3A_216 = arith.addf %mul3A_214, %mul3A_215 : vector<16xf32>
        %reduce_sum3A_217 = arith.constant true
        %reduce_sum3A_218 = vector.broadcast %reduce_sum3A_217 : i1 to vector<16xi1>
        %reduce_sum3A_219 = tpu.scan <sum>, %add3A_216 masked %reduce_sum3A_218 : vector<16xf32>, vector<16xi1> -> vector<16xf32>
        %reduce_sum3A_220 = vector.extract %reduce_sum3A_219[15] : f32 from vector<16xf32>
        %mul3A_221 = arith.mulf %reduce_sum3A_220, %while3A_50 : f32
        %broadcast_in_dim3A_222 = vector.broadcast %mul3A_221 : f32 to vector<16xf32>
        %exp3A_223 = math.exp %broadcast_in_dim3A_222 : vector<16xf32>
        %mul3A_224 = arith.mulf %get3A_143, %exp3A_223 : vector<16xf32>
        %swap3A_225 = arith.index_cast %while3A_128 : i32 to index
        %swap3A_226 = arith.constant 64 : index
        %swap3A_227 = tpu.vector_load %arg11[%swap3A_225, %swap3A_226] {strides = array<i32>} : memref<80x128xf32, #tpu.memory_space<vmem>>, vector<16xf32>,
        tpu.vector_store %arg11[%swap3A_225, %swap3A_226], %mul3A_224 {strides = array<i32>} : memref<80x128xf32, #tpu.memory_space<vmem>>, vector<16xf32>,
        %mul3A_228 = arith.mulf %get3A_146, %exp3A_223 : vector<16xf32>
        %swap3A_229 = arith.index_cast %while3A_128 : i32 to index
        %swap3A_230 = arith.constant 80 : index
        %swap3A_231 = tpu.vector_load %arg11[%swap3A_229, %swap3A_230] {strides = array<i32>} : memref<80x128xf32, #tpu.memory_space<vmem>>, vector<16xf32>,
        tpu.vector_store %arg11[%swap3A_229, %swap3A_230], %mul3A_228 {strides = array<i32>} : memref<80x128xf32, #tpu.memory_space<vmem>>, vector<16xf32>,
        %mul3A_232 = arith.mulf %get3A_149, %get3A_173 : vector<16xf32>
        %mul3A_233 = arith.mulf %get3A_152, %get3A_176 : vector<16xf32>
        %add3A_234 = arith.addf %mul3A_232, %mul3A_233 : vector<16xf32>
        %reduce_sum3A_235 = arith.constant true
        %reduce_sum3A_236 = vector.broadcast %reduce_sum3A_235 : i1 to vector<16xi1>
        %reduce_sum3A_237 = tpu.scan <sum>, %add3A_234 masked %reduce_sum3A_236 : vector<16xf32>, vector<16xi1> -> vector<16xf32>
        %reduce_sum3A_238 = vector.extract %reduce_sum3A_237[15] : f32 from vector<16xf32>
        %mul3A_239 = arith.mulf %reduce_sum3A_238, %while3A_50 : f32
        %broadcast_in_dim3A_240 = vector.broadcast %mul3A_239 : f32 to vector<16xf32>
        %exp3A_241 = math.exp %broadcast_in_dim3A_240 : vector<16xf32>
        %mul3A_242 = arith.mulf %get3A_149, %exp3A_241 : vector<16xf32>
        %swap3A_243 = arith.index_cast %while3A_128 : i32 to index
        %swap3A_244 = arith.constant 96 : index
        %swap3A_245 = tpu.vector_load %arg11[%swap3A_243, %swap3A_244] {strides = array<i32>} : memref<80x128xf32, #tpu.memory_space<vmem>>, vector<16xf32>,
        tpu.vector_store %arg11[%swap3A_243, %swap3A_244], %mul3A_242 {strides = array<i32>} : memref<80x128xf32, #tpu.memory_space<vmem>>, vector<16xf32>,
        %mul3A_246 = arith.mulf %get3A_152, %exp3A_241 : vector<16xf32>
        %swap3A_247 = arith.index_cast %while3A_128 : i32 to index
        %swap3A_248 = arith.constant 112 : index
        %swap3A_249 = tpu.vector_load %arg11[%swap3A_247, %swap3A_248] {strides = array<i32>} : memref<80x128xf32, #tpu.memory_space<vmem>>, vector<16xf32>,
        tpu.vector_store %arg11[%swap3A_247, %swap3A_248], %mul3A_246 {strides = array<i32>} : memref<80x128xf32, #tpu.memory_space<vmem>>, vector<16xf32>,
        %eq3A = arith.constant 0 : i32
        %eq3A_250 = vector.broadcast %eq3A : i32 to vector<16xi32>
        %eq3A_251 = arith.cmpi eq, %iota3A, %eq3A_250 : vector<16xi32>
        %eq3A_252 = arith.constant 1 : i32
        %eq3A_253 = vector.broadcast %eq3A_252 : i32 to vector<16xi32>
        %eq3A_254 = arith.cmpi eq, %iota3A, %eq3A_253 : vector<16xi32>
        %eq3A_255 = arith.constant 2 : i32
        %eq3A_256 = vector.broadcast %eq3A_255 : i32 to vector<16xi32>
        %eq3A_257 = arith.cmpi eq, %iota3A, %eq3A_256 : vector<16xi32>
        %eq3A_258 = arith.constant 3 : i32
        %eq3A_259 = vector.broadcast %eq3A_258 : i32 to vector<16xi32>
        %eq3A_260 = arith.cmpi eq, %iota3A, %eq3A_259 : vector<16xi32>
        %select_n3A = arith.select %eq3A_260, %exp3A_241, %broadcast_in_dim3A_1 : vector<16xi1>, vector<16xf32>
        %select_n3A_261 = arith.select %eq3A_257, %exp3A_223, %select_n3A : vector<16xi1>, vector<16xf32>
        %select_n3A_262 = arith.select %eq3A_254, %exp3A_205, %select_n3A_261 : vector<16xi1>, vector<16xf32>
        %select_n3A_263 = arith.select %eq3A_251, %exp3A, %select_n3A_262 : vector<16xi1>, vector<16xf32>
        %eq3A_264 = arith.constant 0 : i32
        %eq3A_265 = vector.broadcast %eq3A_264 : i32 to vector<16xi32>
        %eq3A_266 = arith.cmpi eq, %and3A_179, %eq3A_265 : vector<16xi32>
        %select_n3A_267 = arith.select %eq3A_266, %select_n3A_263, %broadcast_in_dim3A_1 : vector<16xi1>, vector<16xf32>
        %swap3A_268 = arith.index_cast %while3A_128 : i32 to index
        %swap3A_269 = arith.constant 0 : index
        %swap3A_270 = tpu.vector_load %arg12[%swap3A_268, %swap3A_269] {strides = array<i32>} : memref<80x128xf32, #tpu.memory_space<vmem>>, vector<16xf32>,
        tpu.vector_store %arg12[%swap3A_268, %swap3A_269], %select_n3A_267 {strides = array<i32>} : memref<80x128xf32, #tpu.memory_space<vmem>>, vector<16xf32>,
        %eq3A_271 = arith.constant 1 : i32
        %eq3A_272 = vector.broadcast %eq3A_271 : i32 to vector<16xi32>
        %eq3A_273 = arith.cmpi eq, %and3A_179, %eq3A_272 : vector<16xi32>
        %select_n3A_274 = arith.select %eq3A_273, %select_n3A_263, %broadcast_in_dim3A_1 : vector<16xi1>, vector<16xf32>
        %swap3A_275 = arith.index_cast %while3A_128 : i32 to index
        %swap3A_276 = arith.constant 16 : index
        %swap3A_277 = tpu.vector_load %arg12[%swap3A_275, %swap3A_276] {strides = array<i32>} : memref<80x128xf32, #tpu.memory_space<vmem>>, vector<16xf32>,
        tpu.vector_store %arg12[%swap3A_275, %swap3A_276], %select_n3A_274 {strides = array<i32>} : memref<80x128xf32, #tpu.memory_space<vmem>>, vector<16xf32>,
        %eq3A_278 = arith.constant 2 : i32
        %eq3A_279 = vector.broadcast %eq3A_278 : i32 to vector<16xi32>
        %eq3A_280 = arith.cmpi eq, %and3A_179, %eq3A_279 : vector<16xi32>
        %select_n3A_281 = arith.select %eq3A_280, %select_n3A_263, %broadcast_in_dim3A_1 : vector<16xi1>, vector<16xf32>
        %swap3A_282 = arith.index_cast %while3A_128 : i32 to index
        %swap3A_283 = arith.constant 32 : index
        %swap3A_284 = tpu.vector_load %arg12[%swap3A_282, %swap3A_283] {strides = array<i32>} : memref<80x128xf32, #tpu.memory_space<vmem>>, vector<16xf32>,
        tpu.vector_store %arg12[%swap3A_282, %swap3A_283], %select_n3A_281 {strides = array<i32>} : memref<80x128xf32, #tpu.memory_space<vmem>>, vector<16xf32>,
        %eq3A_285 = arith.constant 3 : i32
        %eq3A_286 = vector.broadcast %eq3A_285 : i32 to vector<16xi32>
        %eq3A_287 = arith.cmpi eq, %and3A_179, %eq3A_286 : vector<16xi32>
        %select_n3A_288 = arith.select %eq3A_287, %select_n3A_263, %broadcast_in_dim3A_1 : vector<16xi1>, vector<16xf32>
        %swap3A_289 = arith.index_cast %while3A_128 : i32 to index
        %swap3A_290 = arith.constant 48 : index
        %swap3A_291 = tpu.vector_load %arg12[%swap3A_289, %swap3A_290] {strides = array<i32>} : memref<80x128xf32, #tpu.memory_space<vmem>>, vector<16xf32>,
        tpu.vector_store %arg12[%swap3A_289, %swap3A_290], %select_n3A_288 {strides = array<i32>} : memref<80x128xf32, #tpu.memory_space<vmem>>, vector<16xf32>,
        %eq3A_292 = arith.constant 4 : i32
        %eq3A_293 = vector.broadcast %eq3A_292 : i32 to vector<16xi32>
        %eq3A_294 = arith.cmpi eq, %and3A_179, %eq3A_293 : vector<16xi32>
        %select_n3A_295 = arith.select %eq3A_294, %select_n3A_263, %broadcast_in_dim3A_1 : vector<16xi1>, vector<16xf32>
        %swap3A_296 = arith.index_cast %while3A_128 : i32 to index
        %swap3A_297 = arith.constant 64 : index
        %swap3A_298 = tpu.vector_load %arg12[%swap3A_296, %swap3A_297] {strides = array<i32>} : memref<80x128xf32, #tpu.memory_space<vmem>>, vector<16xf32>,
        tpu.vector_store %arg12[%swap3A_296, %swap3A_297], %select_n3A_295 {strides = array<i32>} : memref<80x128xf32, #tpu.memory_space<vmem>>, vector<16xf32>,
        %eq3A_299 = arith.constant 5 : i32
        %eq3A_300 = vector.broadcast %eq3A_299 : i32 to vector<16xi32>
        %eq3A_301 = arith.cmpi eq, %and3A_179, %eq3A_300 : vector<16xi32>
        %select_n3A_302 = arith.select %eq3A_301, %select_n3A_263, %broadcast_in_dim3A_1 : vector<16xi1>, vector<16xf32>
        %swap3A_303 = arith.index_cast %while3A_128 : i32 to index
        %swap3A_304 = arith.constant 80 : index
        %swap3A_305 = tpu.vector_load %arg12[%swap3A_303, %swap3A_304] {strides = array<i32>} : memref<80x128xf32, #tpu.memory_space<vmem>>, vector<16xf32>,
        tpu.vector_store %arg12[%swap3A_303, %swap3A_304], %select_n3A_302 {strides = array<i32>} : memref<80x128xf32, #tpu.memory_space<vmem>>, vector<16xf32>,
        %eq3A_306 = arith.constant 6 : i32
        %eq3A_307 = vector.broadcast %eq3A_306 : i32 to vector<16xi32>
        %eq3A_308 = arith.cmpi eq, %and3A_179, %eq3A_307 : vector<16xi32>
        %select_n3A_309 = arith.select %eq3A_308, %select_n3A_263, %broadcast_in_dim3A_1 : vector<16xi1>, vector<16xf32>
        %swap3A_310 = arith.index_cast %while3A_128 : i32 to index
        %swap3A_311 = arith.constant 96 : index
        %swap3A_312 = tpu.vector_load %arg12[%swap3A_310, %swap3A_311] {strides = array<i32>} : memref<80x128xf32, #tpu.memory_space<vmem>>, vector<16xf32>,
        tpu.vector_store %arg12[%swap3A_310, %swap3A_311], %select_n3A_309 {strides = array<i32>} : memref<80x128xf32, #tpu.memory_space<vmem>>, vector<16xf32>,
        %eq3A_313 = arith.constant 7 : i32
        %eq3A_314 = vector.broadcast %eq3A_313 : i32 to vector<16xi32>
        %eq3A_315 = arith.cmpi eq, %and3A_179, %eq3A_314 : vector<16xi32>
        %select_n3A_316 = arith.select %eq3A_315, %select_n3A_263, %broadcast_in_dim3A_1 : vector<16xi1>, vector<16xf32>
        %swap3A_317 = arith.index_cast %while3A_128 : i32 to index
        %swap3A_318 = arith.constant 112 : index
        %swap3A_319 = tpu.vector_load %arg12[%swap3A_317, %swap3A_318] {strides = array<i32>} : memref<80x128xf32, #tpu.memory_space<vmem>>, vector<16xf32>,
        tpu.vector_store %arg12[%swap3A_317, %swap3A_318], %select_n3A_316 {strides = array<i32>} : memref<80x128xf32, #tpu.memory_space<vmem>>, vector<16xf32>,
        %add3A_320 = arith.constant 1 : i32
        %add3A_321 = arith.addi %while3A_128, %add3A_320 : i32
        scf.yield %add3A_321 : i32
      }
      "tpu.region"() ({
        %run_scoped3A = tpu.sem_alloc : memref<!tpu.dma_semaphore, #tpu.memory_space<semaphore_mem>>
        %dma_start3A_127 = arith.constant 0 : i32
        %dma_start3A_128 = arith.constant 0 : i32
        %dma_start3A_129 = tpu.memref_slice %arg13[%dma_start3A_127, %dma_start3A_128] : memref<10240x128xf32, #tpu.memory_space<vmem_shared>> -> memref<10240x128xf32, #tpu.memory_space<vmem_shared>>
        tpu.enqueue_indirect_dma source(%arg11 : memref<80x128xf32, #tpu.memory_space<vmem>>) target(%dma_start3A_129 : memref<10240x128xf32, #tpu.memory_space<vmem_shared>>) offsets(%arg8 : memref<80xi32, #tpu.memory_space<vmem>>) semaphore(%run_scoped3A : memref<!tpu.dma_semaphore, #tpu.memory_space<semaphore_mem>>) {add = true}
        %dma_wait3A_130 = arith.constant 0 : i32
        %dma_wait3A_131 = arith.constant 0 : i32
        %dma_wait3A_132 = tpu.memref_slice %arg13[%dma_wait3A_130, %dma_wait3A_131] : memref<10240x128xf32, #tpu.memory_space<vmem_shared>> -> memref<10240x128xf32, #tpu.memory_space<vmem_shared>>
        tpu.wait_indirect_dma semaphore(%run_scoped3A : memref<!tpu.dma_semaphore, #tpu.memory_space<semaphore_mem>>) src(%arg11 : memref<80x128xf32, #tpu.memory_space<vmem>>) dst(%dma_wait3A_132 : memref<10240x128xf32, #tpu.memory_space<vmem_shared>>)
        tpu.yield
      }) : () -> ()
      "tpu.region"() ({
        %run_scoped3A = tpu.sem_alloc : memref<!tpu.dma_semaphore, #tpu.memory_space<semaphore_mem>>
        %dma_start3A_127 = arith.constant 0 : i32
        %dma_start3A_128 = arith.constant 0 : i32
        %dma_start3A_129 = tpu.memref_slice %arg14[%dma_start3A_127, %dma_start3A_128] : memref<1280x128xf32, #tpu.memory_space<vmem_shared>> -> memref<1280x128xf32, #tpu.memory_space<vmem_shared>>
        tpu.enqueue_indirect_dma source(%arg12 : memref<80x128xf32, #tpu.memory_space<vmem>>) target(%dma_start3A_129 : memref<1280x128xf32, #tpu.memory_space<vmem_shared>>) offsets(%arg9 : memref<80xi32, #tpu.memory_space<vmem>>) semaphore(%run_scoped3A : memref<!tpu.dma_semaphore, #tpu.memory_space<semaphore_mem>>) {add = true}
        %dma_wait3A_130 = arith.constant 0 : i32
        %dma_wait3A_131 = arith.constant 0 : i32
        %dma_wait3A_132 = tpu.memref_slice %arg14[%dma_wait3A_130, %dma_wait3A_131] : memref<1280x128xf32, #tpu.memory_space<vmem_shared>> -> memref<1280x128xf32, #tpu.memory_space<vmem_shared>>
        tpu.wait_indirect_dma semaphore(%run_scoped3A : memref<!tpu.dma_semaphore, #tpu.memory_space<semaphore_mem>>) src(%arg12 : memref<80x128xf32, #tpu.memory_space<vmem>>) dst(%dma_wait3A_132 : memref<1280x128xf32, #tpu.memory_space<vmem_shared>>)
        tpu.yield
      }) : () -> ()
      %add3A_125 = arith.constant 80 : i32
      %add3A_126 = arith.addi %while3A_69, %add3A_125 : i32
      scf.yield %add3A_126 : i32
    }
    %barrier3A_63 = arith.constant 0 : index
    tpu.barrier barrier_id(%barrier3A_63)
    %mul3A_64 = arith.constant 640 : i32
    %mul3A_65 = arith.muli %arg1, %mul3A_64 : i32
    "tpu.region"() ({
      %run_scoped3A = tpu.sem_alloc : memref<!tpu.dma_semaphore, #tpu.memory_space<semaphore_mem>>
      %dma_start3A = arith.constant 0 : i32
      %dma_start3A_68 = tpu.memref_slice %arg5[%arg0, %mul3A_65, %dma_start3A] : memref<2x10240x128xf32, #tpu.memory_space<hbm>> -> memref<1x640x128xf32, #tpu.memory_space<hbm>>
      %dma_start3A_69 = tpu.memref_squeeze %dma_start3A_68 : memref<1x640x128xf32, #tpu.memory_space<hbm>> -> memref<640x128xf32, #tpu.memory_space<hbm>>
      %dma_start3A_70 = arith.constant 0 : i32
      %dma_start3A_71 = tpu.memref_slice %arg13[%mul3A_65, %dma_start3A_70] : memref<10240x128xf32, #tpu.memory_space<vmem_shared>> -> memref<640x128xf32, #tpu.memory_space<vmem_shared>>
      tpu.enqueue_dma source(%dma_start3A_71 : memref<640x128xf32, #tpu.memory_space<vmem_shared>>) target(%dma_start3A_69 : memref<640x128xf32, #tpu.memory_space<hbm>>) target_semaphore(%run_scoped3A : memref<!tpu.dma_semaphore, #tpu.memory_space<semaphore_mem>>)
      %dma_wait3A = arith.constant 0 : i32
      %dma_wait3A_72 = tpu.memref_slice %arg5[%arg0, %mul3A_65, %dma_wait3A] : memref<2x10240x128xf32, #tpu.memory_space<hbm>> -> memref<1x640x128xf32, #tpu.memory_space<hbm>>
      %dma_wait3A_73 = tpu.memref_squeeze %dma_wait3A_72 : memref<1x640x128xf32, #tpu.memory_space<hbm>> -> memref<640x128xf32, #tpu.memory_space<hbm>>
      %dma_wait3A_74 = arith.constant 0 : i32
      %dma_wait3A_75 = tpu.memref_slice %arg13[%mul3A_65, %dma_wait3A_74] : memref<10240x128xf32, #tpu.memory_space<vmem_shared>> -> memref<640x128xf32, #tpu.memory_space<vmem_shared>>
      tpu.wait_dma2 semaphore(%run_scoped3A : memref<!tpu.dma_semaphore, #tpu.memory_space<semaphore_mem>>) src(%dma_wait3A_75 : memref<640x128xf32, #tpu.memory_space<vmem_shared>>) dst(%dma_wait3A_73 : memref<640x128xf32, #tpu.memory_space<hbm>>)
      tpu.yield
    }) : () -> ()
    %mul3A_66 = arith.constant 80 : i32
    %mul3A_67 = arith.muli %arg1, %mul3A_66 : i32
    "tpu.region"() ({
      %run_scoped3A = tpu.sem_alloc : memref<!tpu.dma_semaphore, #tpu.memory_space<semaphore_mem>>
      %dma_start3A = arith.constant 0 : i32
      %dma_start3A_68 = tpu.memref_slice %arg6[%arg0, %mul3A_67, %dma_start3A] : memref<2x1280x128xf32, #tpu.memory_space<hbm>> -> memref<1x80x128xf32, #tpu.memory_space<hbm>>
      %dma_start3A_69 = tpu.memref_squeeze %dma_start3A_68 : memref<1x80x128xf32, #tpu.memory_space<hbm>> -> memref<80x128xf32, #tpu.memory_space<hbm>>
      %dma_start3A_70 = arith.constant 0 : i32
      %dma_start3A_71 = tpu.memref_slice %arg14[%mul3A_67, %dma_start3A_70] : memref<1280x128xf32, #tpu.memory_space<vmem_shared>> -> memref<80x128xf32, #tpu.memory_space<vmem_shared>>
      tpu.enqueue_dma source(%dma_start3A_71 : memref<80x128xf32, #tpu.memory_space<vmem_shared>>) target(%dma_start3A_69 : memref<80x128xf32, #tpu.memory_space<hbm>>) target_semaphore(%run_scoped3A : memref<!tpu.dma_semaphore, #tpu.memory_space<semaphore_mem>>)
      %dma_wait3A = arith.constant 0 : i32
      %dma_wait3A_72 = tpu.memref_slice %arg6[%arg0, %mul3A_67, %dma_wait3A] : memref<2x1280x128xf32, #tpu.memory_space<hbm>> -> memref<1x80x128xf32, #tpu.memory_space<hbm>>
      %dma_wait3A_73 = tpu.memref_squeeze %dma_wait3A_72 : memref<1x80x128xf32, #tpu.memory_space<hbm>> -> memref<80x128xf32, #tpu.memory_space<hbm>>
      %dma_wait3A_74 = arith.constant 0 : i32
      %dma_wait3A_75 = tpu.memref_slice %arg14[%mul3A_67, %dma_wait3A_74] : memref<1280x128xf32, #tpu.memory_space<vmem_shared>> -> memref<80x128xf32, #tpu.memory_space<vmem_shared>>
      tpu.wait_dma2 semaphore(%run_scoped3A : memref<!tpu.dma_semaphore, #tpu.memory_space<semaphore_mem>>) src(%dma_wait3A_75 : memref<80x128xf32, #tpu.memory_space<vmem_shared>>) dst(%dma_wait3A_73 : memref<80x128xf32, #tpu.memory_space<hbm>>)
      tpu.yield
    }) : () -> ()
    return
  }
}

module attributes {stable_mosaic.version = 14 : i64} {
  func.func @_mm_body(%arg0: i32, %arg1: memref<1000x128xf32, #tpu.memory_space<vmem>>, %arg2: memref<128x128xf32, #tpu.memory_space<vmem>>, %arg3: memref<1000x128xf32, #tpu.memory_space<vmem>>) attributes {dimension_semantics = [#tpu.dimension_semantics<arbitrary>], iteration_bounds = array<i64: 10>, scalar_prefetch = 0 : i64, scratch_operands = 0 : i64, tpu.core_type = #tpu.core_type<tc>, window_params = [{transform_indices = @transform_0, window_bounds = array<i64: 1000, 128>}, {pipeline_mode = #tpu.pipeline_mode<synchronous>, transform_indices = @transform_1, window_bounds = array<i64: 128, 128>}, {transform_indices = @transform_2, window_bounds = array<i64: 1000, 128>}]} {
    %get3A = arith.constant 0 : index
    %get3A_0 = arith.constant 0 : index
    %get3A_1 = vector.load %arg1[%get3A, %get3A_0] : memref<1000x128xf32, #tpu.memory_space<vmem>>, vector<1000x128xf32>
    %get3A_2 = arith.constant 0 : index
    %get3A_3 = arith.constant 0 : index
    %get3A_4 = vector.load %arg2[%get3A_2, %get3A_3] : memref<128x128xf32, #tpu.memory_space<vmem>>, vector<128x128xf32>
    %dot_general3A = arith.constant dense<0.000000e+00> : vector<1000x128xf32>
    %dot_general3A_5 = tpu.matmul %get3A_1, %get3A_4, %dot_general3A {dimension_numbers = #tpu.dot_dimension_numbers<[1], [0], [0], [1], [0, 0, 1, 1], [], []>, transpose_lhs_hint = false} : vector<1000x128xf32>, vector<128x128xf32>, vector<1000x128xf32> -> vector<1000x128xf32>
    %swap3A = arith.constant 0 : index
    %swap3A_6 = arith.constant 0 : index
    %swap3A_7 = vector.load %arg3[%swap3A, %swap3A_6] : memref<1000x128xf32, #tpu.memory_space<vmem>>, vector<1000x128xf32>
    tpu.vector_store %arg3[%swap3A, %swap3A_6], %dot_general3A_5 {strides = array<i32>} : memref<1000x128xf32, #tpu.memory_space<vmem>>, vector<1000x128xf32>,
    return
  }
  func.func @transform_0(%arg0: i32) -> (i32, i32) {
    %c0_i32 = arith.constant 0 : i32
    %c0_i32_0 = arith.constant 0 : i32
    return %arg0, %c0_i32 : i32, i32
  }
  func.func @transform_1(%arg0: i32) -> (i32, i32) {
    %c0_i32 = arith.constant 0 : i32
    %c0_i32_0 = arith.constant 0 : i32
    %c0_i32_1 = arith.constant 0 : i32
    return %c0_i32, %c0_i32_0 : i32, i32
  }
  func.func @transform_2(%arg0: i32) -> (i32, i32) {
    %c0_i32 = arith.constant 0 : i32
    %c0_i32_0 = arith.constant 0 : i32
    return %arg0, %c0_i32 : i32, i32
  }
}

module attributes {stable_mosaic.version = 14 : i64} {
  func.func @_fin_body(%arg0: i32, %arg1: memref<2x1024x128xf32, #tpu.memory_space<vmem>>, %arg2: memref<2x128x128xf32, #tpu.memory_space<vmem>>, %arg3: memref<1024x128xf32, #tpu.memory_space<vmem>>) attributes {dimension_semantics = [#tpu.dimension_semantics<arbitrary>], iteration_bounds = array<i64: 10>, scalar_prefetch = 0 : i64, scratch_operands = 0 : i64, tpu.core_type = #tpu.core_type<tc>, window_params = [{transform_indices = @transform_0, window_bounds = array<i64: 2, 1024, 128>}, {transform_indices = @transform_1, window_bounds = array<i64: 2, 128, 128>}, {transform_indices = @transform_2, window_bounds = array<i64: 1024, 128>}]} {
    %get3A = arith.constant 0 : index
    %get3A_0 = arith.constant 0 : index
    %get3A_1 = arith.constant 0 : index
    %get3A_2 = vector.load %arg1[%get3A, %get3A_0, %get3A_1] : memref<2x1024x128xf32, #tpu.memory_space<vmem>>, vector<1x1024x128xf32>
    %get3A_3 = vector.shape_cast %get3A_2 : vector<1x1024x128xf32> to vector<1024x128xf32>
    %get3A_4 = arith.constant 1 : index
    %get3A_5 = arith.constant 0 : index
    %get3A_6 = arith.constant 0 : index
    %get3A_7 = vector.load %arg1[%get3A_4, %get3A_5, %get3A_6] : memref<2x1024x128xf32, #tpu.memory_space<vmem>>, vector<1x1024x128xf32>
    %get3A_8 = vector.shape_cast %get3A_7 : vector<1x1024x128xf32> to vector<1024x128xf32>
    %add3A = arith.addf %get3A_3, %get3A_8 : vector<1024x128xf32>
    %get3A_9 = arith.constant 0 : index
    %get3A_10 = arith.constant 0 : index
    %get3A_11 = arith.constant 0 : index
    %get3A_12 = vector.load %arg2[%get3A_9, %get3A_10, %get3A_11] : memref<2x128x128xf32, #tpu.memory_space<vmem>>, vector<1x128x128xf32>
    %get3A_13 = vector.shape_cast %get3A_12 : vector<1x128x128xf32> to vector<128x128xf32>
    %get3A_14 = arith.constant 1 : index
    %get3A_15 = arith.constant 0 : index
    %get3A_16 = arith.constant 0 : index
    %get3A_17 = vector.load %arg2[%get3A_14, %get3A_15, %get3A_16] : memref<2x128x128xf32, #tpu.memory_space<vmem>>, vector<1x128x128xf32>
    %get3A_18 = vector.shape_cast %get3A_17 : vector<1x128x128xf32> to vector<128x128xf32>
    %add3A_19 = arith.addf %get3A_13, %get3A_18 : vector<128x128xf32>
    %iota3A = tpu.iota {dimensions = array<i32: 0>} : vector<1024x128xi32>
    %iota3A_20 = tpu.iota {dimensions = array<i32: 1>} : vector<1024x128xi32>
    %iota3A_21 = tpu.iota {dimensions = array<i32: 0>} : vector<128x128xi32>
    %iota3A_22 = tpu.iota {dimensions = array<i32: 1>} : vector<128x128xi32>
    %broadcast_in_dim3A = arith.constant 0.000000e+00 : f32
    %broadcast_in_dim3A_23 = vector.broadcast %broadcast_in_dim3A : f32 to vector<1024x128xf32>
    %mul3A = arith.constant 8 : i32
    %mul3A_24 = vector.broadcast %mul3A : i32 to vector<1024x128xi32>
    %mul3A_25 = arith.muli %mul3A_24, %iota3A_20 : vector<1024x128xi32>
    %add3A_26 = arith.constant 0 : i32
    %add3A_27 = vector.broadcast %add3A_26 : i32 to vector<1024x128xi32>
    %add3A_28 = arith.addi %mul3A_25, %add3A_27 : vector<1024x128xi32>
    %eq3A = arith.cmpi eq, %iota3A, %add3A_28 : vector<1024x128xi32>
    %convert_element_type3A = arith.extui %eq3A : vector<1024x128xi1> to vector<1024x128xi32>
    %convert_element_type3A_29 = arith.sitofp %convert_element_type3A : vector<1024x128xi32> to vector<1024x128xf32>
    %jit3A = arith.constant 32 : i32
    %div3A = vector.broadcast %jit3A : i32 to vector<128x128xi32>
    %div3A_30 = arith.divsi %iota3A_22, %div3A : vector<128x128xi32>
    %sign3A = arith.constant 0 : i32
    %sign3A_31 = vector.broadcast %sign3A : i32 to vector<128x128xi32>
    %sign3A_32 = arith.cmpi sgt, %iota3A_22, %sign3A_31 : vector<128x128xi32>
    %sign3A_33 = arith.extui %sign3A_32 : vector<128x128xi1> to vector<128x128xi32>
    %sign3A_34 = arith.constant 0 : i32
    %sign3A_35 = vector.broadcast %sign3A_34 : i32 to vector<128x128xi32>
    %sign3A_36 = arith.cmpi slt, %iota3A_22, %sign3A_35 : vector<128x128xi32>
    %sign3A_37 = arith.extui %sign3A_36 : vector<128x128xi1> to vector<128x128xi32>
    %sign3A_38 = arith.subi %sign3A_33, %sign3A_37 : vector<128x128xi32>
    %sign3A_39 = arith.constant 0 : i32
    %sign3A_40 = arith.cmpi sgt, %jit3A, %sign3A_39 : i32
    %sign3A_41 = arith.extui %sign3A_40 : i1 to i32
    %sign3A_42 = arith.constant 0 : i32
    %sign3A_43 = arith.cmpi slt, %jit3A, %sign3A_42 : i32
    %sign3A_44 = arith.extui %sign3A_43 : i1 to i32
    %sign3A_45 = arith.subi %sign3A_41, %sign3A_44 : i32
    %ne3A = vector.broadcast %sign3A_45 : i32 to vector<128x128xi32>
    %ne3A_46 = arith.cmpi ne, %sign3A_38, %ne3A : vector<128x128xi32>
    %rem3A = vector.broadcast %jit3A : i32 to vector<128x128xi32>
    %rem3A_47 = arith.remsi %iota3A_22, %rem3A : vector<128x128xi32>
    %ne3A_48 = arith.constant 0 : i32
    %ne3A_49 = vector.broadcast %ne3A_48 : i32 to vector<128x128xi32>
    %ne3A_50 = arith.cmpi ne, %rem3A_47, %ne3A_49 : vector<128x128xi32>
    %and3A = arith.andi %ne3A_46, %ne3A_50 : vector<128x128xi1>
    %sub3A = arith.constant 1 : i32
    %sub3A_51 = vector.broadcast %sub3A : i32 to vector<128x128xi32>
    %sub3A_52 = arith.subi %div3A_30, %sub3A_51 : vector<128x128xi32>
    %select_n3A = arith.select %and3A, %sub3A_52, %div3A_30 : vector<128x128xi1>, vector<128x128xi32>
    %add3A_53 = arith.constant 0 : i32
    %add3A_54 = vector.broadcast %add3A_53 : i32 to vector<128x128xi32>
    %add3A_55 = arith.addi %add3A_54, %select_n3A : vector<128x128xi32>
    %eq3A_56 = arith.cmpi eq, %iota3A_21, %add3A_55 : vector<128x128xi32>
    %convert_element_type3A_57 = arith.extui %eq3A_56 : vector<128x128xi1> to vector<128x128xi32>
    %convert_element_type3A_58 = arith.sitofp %convert_element_type3A_57 : vector<128x128xi32> to vector<128x128xf32>
    %dot_general3A = arith.constant dense<0.000000e+00> : vector<128x128xf32>
    %dot_general3A_59 = tpu.matmul %add3A_19, %convert_element_type3A_58, %dot_general3A {dimension_numbers = #tpu.dot_dimension_numbers<[1], [0], [0], [1], [0, 0, 1, 1], [], []>, transpose_lhs_hint = false} : vector<128x128xf32>, vector<128x128xf32>, vector<128x128xf32> -> vector<128x128xf32>
    %dot_general3A_60 = arith.constant dense<0.000000e+00> : vector<1024x128xf32>
    %dot_general3A_61 = tpu.matmul %convert_element_type3A_29, %dot_general3A_59, %dot_general3A_60 {dimension_numbers = #tpu.dot_dimension_numbers<[1], [0], [0], [1], [0, 0, 1, 1], [], []>, transpose_lhs_hint = false} : vector<1024x128xf32>, vector<128x128xf32>, vector<1024x128xf32> -> vector<1024x128xf32>
    %add3A_62 = arith.addf %broadcast_in_dim3A_23, %dot_general3A_61 : vector<1024x128xf32>
    %mul3A_63 = arith.constant 8 : i32
    %mul3A_64 = vector.broadcast %mul3A_63 : i32 to vector<1024x128xi32>
    %mul3A_65 = arith.muli %mul3A_64, %iota3A_20 : vector<1024x128xi32>
    %add3A_66 = arith.constant 1 : i32
    %add3A_67 = vector.broadcast %add3A_66 : i32 to vector<1024x128xi32>
    %add3A_68 = arith.addi %mul3A_65, %add3A_67 : vector<1024x128xi32>
    %eq3A_69 = arith.cmpi eq, %iota3A, %add3A_68 : vector<1024x128xi32>
    %convert_element_type3A_70 = arith.extui %eq3A_69 : vector<1024x128xi1> to vector<1024x128xi32>
    %convert_element_type3A_71 = arith.sitofp %convert_element_type3A_70 : vector<1024x128xi32> to vector<1024x128xf32>
    %jit3A_72 = arith.constant 32 : i32
    %div3A_73 = vector.broadcast %jit3A_72 : i32 to vector<128x128xi32>
    %div3A_74 = arith.divsi %iota3A_22, %div3A_73 : vector<128x128xi32>
    %sign3A_75 = arith.constant 0 : i32
    %sign3A_76 = vector.broadcast %sign3A_75 : i32 to vector<128x128xi32>
    %sign3A_77 = arith.cmpi sgt, %iota3A_22, %sign3A_76 : vector<128x128xi32>
    %sign3A_78 = arith.extui %sign3A_77 : vector<128x128xi1> to vector<128x128xi32>
    %sign3A_79 = arith.constant 0 : i32
    %sign3A_80 = vector.broadcast %sign3A_79 : i32 to vector<128x128xi32>
    %sign3A_81 = arith.cmpi slt, %iota3A_22, %sign3A_80 : vector<128x128xi32>
    %sign3A_82 = arith.extui %sign3A_81 : vector<128x128xi1> to vector<128x128xi32>
    %sign3A_83 = arith.subi %sign3A_78, %sign3A_82 : vector<128x128xi32>
    %sign3A_84 = arith.constant 0 : i32
    %sign3A_85 = arith.cmpi sgt, %jit3A_72, %sign3A_84 : i32
    %sign3A_86 = arith.extui %sign3A_85 : i1 to i32
    %sign3A_87 = arith.constant 0 : i32
    %sign3A_88 = arith.cmpi slt, %jit3A_72, %sign3A_87 : i32
    %sign3A_89 = arith.extui %sign3A_88 : i1 to i32
    %sign3A_90 = arith.subi %sign3A_86, %sign3A_89 : i32
    %ne3A_91 = vector.broadcast %sign3A_90 : i32 to vector<128x128xi32>
    %ne3A_92 = arith.cmpi ne, %sign3A_83, %ne3A_91 : vector<128x128xi32>
    %rem3A_93 = vector.broadcast %jit3A_72 : i32 to vector<128x128xi32>
    %rem3A_94 = arith.remsi %iota3A_22, %rem3A_93 : vector<128x128xi32>
    %ne3A_95 = arith.constant 0 : i32
    %ne3A_96 = vector.broadcast %ne3A_95 : i32 to vector<128x128xi32>
    %ne3A_97 = arith.cmpi ne, %rem3A_94, %ne3A_96 : vector<128x128xi32>
    %and3A_98 = arith.andi %ne3A_92, %ne3A_97 : vector<128x128xi1>
    %sub3A_99 = arith.constant 1 : i32
    %sub3A_100 = vector.broadcast %sub3A_99 : i32 to vector<128x128xi32>
    %sub3A_101 = arith.subi %div3A_74, %sub3A_100 : vector<128x128xi32>
    %select_n3A_102 = arith.select %and3A_98, %sub3A_101, %div3A_74 : vector<128x128xi1>, vector<128x128xi32>
    %add3A_103 = arith.constant 16 : i32
    %add3A_104 = vector.broadcast %add3A_103 : i32 to vector<128x128xi32>
    %add3A_105 = arith.addi %add3A_104, %select_n3A_102 : vector<128x128xi32>
    %eq3A_106 = arith.cmpi eq, %iota3A_21, %add3A_105 : vector<128x128xi32>
    %convert_element_type3A_107 = arith.extui %eq3A_106 : vector<128x128xi1> to vector<128x128xi32>
    %convert_element_type3A_108 = arith.sitofp %convert_element_type3A_107 : vector<128x128xi32> to vector<128x128xf32>
    %dot_general3A_109 = arith.constant dense<0.000000e+00> : vector<128x128xf32>
    %dot_general3A_110 = tpu.matmul %add3A_19, %convert_element_type3A_108, %dot_general3A_109 {dimension_numbers = #tpu.dot_dimension_numbers<[1], [0], [0], [1], [0, 0, 1, 1], [], []>, transpose_lhs_hint = false} : vector<128x128xf32>, vector<128x128xf32>, vector<128x128xf32> -> vector<128x128xf32>
    %dot_general3A_111 = arith.constant dense<0.000000e+00> : vector<1024x128xf32>
    %dot_general3A_112 = tpu.matmul %convert_element_type3A_71, %dot_general3A_110, %dot_general3A_111 {dimension_numbers = #tpu.dot_dimension_numbers<[1], [0], [0], [1], [0, 0, 1, 1], [], []>, transpose_lhs_hint = false} : vector<1024x128xf32>, vector<128x128xf32>, vector<1024x128xf32> -> vector<1024x128xf32>
    %add3A_113 = arith.addf %add3A_62, %dot_general3A_112 : vector<1024x128xf32>
    %mul3A_114 = arith.constant 8 : i32
    %mul3A_115 = vector.broadcast %mul3A_114 : i32 to vector<1024x128xi32>
    %mul3A_116 = arith.muli %mul3A_115, %iota3A_20 : vector<1024x128xi32>
    %add3A_117 = arith.constant 2 : i32
    %add3A_118 = vector.broadcast %add3A_117 : i32 to vector<1024x128xi32>
    %add3A_119 = arith.addi %mul3A_116, %add3A_118 : vector<1024x128xi32>
    %eq3A_120 = arith.cmpi eq, %iota3A, %add3A_119 : vector<1024x128xi32>
    %convert_element_type3A_121 = arith.extui %eq3A_120 : vector<1024x128xi1> to vector<1024x128xi32>
    %convert_element_type3A_122 = arith.sitofp %convert_element_type3A_121 : vector<1024x128xi32> to vector<1024x128xf32>
    %jit3A_123 = arith.constant 32 : i32
    %div3A_124 = vector.broadcast %jit3A_123 : i32 to vector<128x128xi32>
    %div3A_125 = arith.divsi %iota3A_22, %div3A_124 : vector<128x128xi32>
    %sign3A_126 = arith.constant 0 : i32
    %sign3A_127 = vector.broadcast %sign3A_126 : i32 to vector<128x128xi32>
    %sign3A_128 = arith.cmpi sgt, %iota3A_22, %sign3A_127 : vector<128x128xi32>
    %sign3A_129 = arith.extui %sign3A_128 : vector<128x128xi1> to vector<128x128xi32>
    %sign3A_130 = arith.constant 0 : i32
    %sign3A_131 = vector.broadcast %sign3A_130 : i32 to vector<128x128xi32>
    %sign3A_132 = arith.cmpi slt, %iota3A_22, %sign3A_131 : vector<128x128xi32>
    %sign3A_133 = arith.extui %sign3A_132 : vector<128x128xi1> to vector<128x128xi32>
    %sign3A_134 = arith.subi %sign3A_129, %sign3A_133 : vector<128x128xi32>
    %sign3A_135 = arith.constant 0 : i32
    %sign3A_136 = arith.cmpi sgt, %jit3A_123, %sign3A_135 : i32
    %sign3A_137 = arith.extui %sign3A_136 : i1 to i32
    %sign3A_138 = arith.constant 0 : i32
    %sign3A_139 = arith.cmpi slt, %jit3A_123, %sign3A_138 : i32
    %sign3A_140 = arith.extui %sign3A_139 : i1 to i32
    %sign3A_141 = arith.subi %sign3A_137, %sign3A_140 : i32
    %ne3A_142 = vector.broadcast %sign3A_141 : i32 to vector<128x128xi32>
    %ne3A_143 = arith.cmpi ne, %sign3A_134, %ne3A_142 : vector<128x128xi32>
    %rem3A_144 = vector.broadcast %jit3A_123 : i32 to vector<128x128xi32>
    %rem3A_145 = arith.remsi %iota3A_22, %rem3A_144 : vector<128x128xi32>
    %ne3A_146 = arith.constant 0 : i32
    %ne3A_147 = vector.broadcast %ne3A_146 : i32 to vector<128x128xi32>
    %ne3A_148 = arith.cmpi ne, %rem3A_145, %ne3A_147 : vector<128x128xi32>
    %and3A_149 = arith.andi %ne3A_143, %ne3A_148 : vector<128x128xi1>
    %sub3A_150 = arith.constant 1 : i32
    %sub3A_151 = vector.broadcast %sub3A_150 : i32 to vector<128x128xi32>
    %sub3A_152 = arith.subi %div3A_125, %sub3A_151 : vector<128x128xi32>
    %select_n3A_153 = arith.select %and3A_149, %sub3A_152, %div3A_125 : vector<128x128xi1>, vector<128x128xi32>
    %add3A_154 = arith.constant 32 : i32
    %add3A_155 = vector.broadcast %add3A_154 : i32 to vector<128x128xi32>
    %add3A_156 = arith.addi %add3A_155, %select_n3A_153 : vector<128x128xi32>
    %eq3A_157 = arith.cmpi eq, %iota3A_21, %add3A_156 : vector<128x128xi32>
    %convert_element_type3A_158 = arith.extui %eq3A_157 : vector<128x128xi1> to vector<128x128xi32>
    %convert_element_type3A_159 = arith.sitofp %convert_element_type3A_158 : vector<128x128xi32> to vector<128x128xf32>
    %dot_general3A_160 = arith.constant dense<0.000000e+00> : vector<128x128xf32>
    %dot_general3A_161 = tpu.matmul %add3A_19, %convert_element_type3A_159, %dot_general3A_160 {dimension_numbers = #tpu.dot_dimension_numbers<[1], [0], [0], [1], [0, 0, 1, 1], [], []>, transpose_lhs_hint = false} : vector<128x128xf32>, vector<128x128xf32>, vector<128x128xf32> -> vector<128x128xf32>
    %dot_general3A_162 = arith.constant dense<0.000000e+00> : vector<1024x128xf32>
    %dot_general3A_163 = tpu.matmul %convert_element_type3A_122, %dot_general3A_161, %dot_general3A_162 {dimension_numbers = #tpu.dot_dimension_numbers<[1], [0], [0], [1], [0, 0, 1, 1], [], []>, transpose_lhs_hint = false} : vector<1024x128xf32>, vector<128x128xf32>, vector<1024x128xf32> -> vector<1024x128xf32>
    %add3A_164 = arith.addf %add3A_113, %dot_general3A_163 : vector<1024x128xf32>
    %mul3A_165 = arith.constant 8 : i32
    %mul3A_166 = vector.broadcast %mul3A_165 : i32 to vector<1024x128xi32>
    %mul3A_167 = arith.muli %mul3A_166, %iota3A_20 : vector<1024x128xi32>
    %add3A_168 = arith.constant 3 : i32
    %add3A_169 = vector.broadcast %add3A_168 : i32 to vector<1024x128xi32>
    %add3A_170 = arith.addi %mul3A_167, %add3A_169 : vector<1024x128xi32>
    %eq3A_171 = arith.cmpi eq, %iota3A, %add3A_170 : vector<1024x128xi32>
    %convert_element_type3A_172 = arith.extui %eq3A_171 : vector<1024x128xi1> to vector<1024x128xi32>
    %convert_element_type3A_173 = arith.sitofp %convert_element_type3A_172 : vector<1024x128xi32> to vector<1024x128xf32>
    %jit3A_174 = arith.constant 32 : i32
    %div3A_175 = vector.broadcast %jit3A_174 : i32 to vector<128x128xi32>
    %div3A_176 = arith.divsi %iota3A_22, %div3A_175 : vector<128x128xi32>
    %sign3A_177 = arith.constant 0 : i32
    %sign3A_178 = vector.broadcast %sign3A_177 : i32 to vector<128x128xi32>
    %sign3A_179 = arith.cmpi sgt, %iota3A_22, %sign3A_178 : vector<128x128xi32>
    %sign3A_180 = arith.extui %sign3A_179 : vector<128x128xi1> to vector<128x128xi32>
    %sign3A_181 = arith.constant 0 : i32
    %sign3A_182 = vector.broadcast %sign3A_181 : i32 to vector<128x128xi32>
    %sign3A_183 = arith.cmpi slt, %iota3A_22, %sign3A_182 : vector<128x128xi32>
    %sign3A_184 = arith.extui %sign3A_183 : vector<128x128xi1> to vector<128x128xi32>
    %sign3A_185 = arith.subi %sign3A_180, %sign3A_184 : vector<128x128xi32>
    %sign3A_186 = arith.constant 0 : i32
    %sign3A_187 = arith.cmpi sgt, %jit3A_174, %sign3A_186 : i32
    %sign3A_188 = arith.extui %sign3A_187 : i1 to i32
    %sign3A_189 = arith.constant 0 : i32
    %sign3A_190 = arith.cmpi slt, %jit3A_174, %sign3A_189 : i32
    %sign3A_191 = arith.extui %sign3A_190 : i1 to i32
    %sign3A_192 = arith.subi %sign3A_188, %sign3A_191 : i32
    %ne3A_193 = vector.broadcast %sign3A_192 : i32 to vector<128x128xi32>
    %ne3A_194 = arith.cmpi ne, %sign3A_185, %ne3A_193 : vector<128x128xi32>
    %rem3A_195 = vector.broadcast %jit3A_174 : i32 to vector<128x128xi32>
    %rem3A_196 = arith.remsi %iota3A_22, %rem3A_195 : vector<128x128xi32>
    %ne3A_197 = arith.constant 0 : i32
    %ne3A_198 = vector.broadcast %ne3A_197 : i32 to vector<128x128xi32>
    %ne3A_199 = arith.cmpi ne, %rem3A_196, %ne3A_198 : vector<128x128xi32>
    %and3A_200 = arith.andi %ne3A_194, %ne3A_199 : vector<128x128xi1>
    %sub3A_201 = arith.constant 1 : i32
    %sub3A_202 = vector.broadcast %sub3A_201 : i32 to vector<128x128xi32>
    %sub3A_203 = arith.subi %div3A_176, %sub3A_202 : vector<128x128xi32>
    %select_n3A_204 = arith.select %and3A_200, %sub3A_203, %div3A_176 : vector<128x128xi1>, vector<128x128xi32>
    %add3A_205 = arith.constant 48 : i32
    %add3A_206 = vector.broadcast %add3A_205 : i32 to vector<128x128xi32>
    %add3A_207 = arith.addi %add3A_206, %select_n3A_204 : vector<128x128xi32>
    %eq3A_208 = arith.cmpi eq, %iota3A_21, %add3A_207 : vector<128x128xi32>
    %convert_element_type3A_209 = arith.extui %eq3A_208 : vector<128x128xi1> to vector<128x128xi32>
    %convert_element_type3A_210 = arith.sitofp %convert_element_type3A_209 : vector<128x128xi32> to vector<128x128xf32>
    %dot_general3A_211 = arith.constant dense<0.000000e+00> : vector<128x128xf32>
    %dot_general3A_212 = tpu.matmul %add3A_19, %convert_element_type3A_210, %dot_general3A_211 {dimension_numbers = #tpu.dot_dimension_numbers<[1], [0], [0], [1], [0, 0, 1, 1], [], []>, transpose_lhs_hint = false} : vector<128x128xf32>, vector<128x128xf32>, vector<128x128xf32> -> vector<128x128xf32>
    %dot_general3A_213 = arith.constant dense<0.000000e+00> : vector<1024x128xf32>
    %dot_general3A_214 = tpu.matmul %convert_element_type3A_173, %dot_general3A_212, %dot_general3A_213 {dimension_numbers = #tpu.dot_dimension_numbers<[1], [0], [0], [1], [0, 0, 1, 1], [], []>, transpose_lhs_hint = false} : vector<1024x128xf32>, vector<128x128xf32>, vector<1024x128xf32> -> vector<1024x128xf32>
    %add3A_215 = arith.addf %add3A_164, %dot_general3A_214 : vector<1024x128xf32>
    %mul3A_216 = arith.constant 8 : i32
    %mul3A_217 = vector.broadcast %mul3A_216 : i32 to vector<1024x128xi32>
    %mul3A_218 = arith.muli %mul3A_217, %iota3A_20 : vector<1024x128xi32>
    %add3A_219 = arith.constant 4 : i32
    %add3A_220 = vector.broadcast %add3A_219 : i32 to vector<1024x128xi32>
    %add3A_221 = arith.addi %mul3A_218, %add3A_220 : vector<1024x128xi32>
    %eq3A_222 = arith.cmpi eq, %iota3A, %add3A_221 : vector<1024x128xi32>
    %convert_element_type3A_223 = arith.extui %eq3A_222 : vector<1024x128xi1> to vector<1024x128xi32>
    %convert_element_type3A_224 = arith.sitofp %convert_element_type3A_223 : vector<1024x128xi32> to vector<1024x128xf32>
    %jit3A_225 = arith.constant 32 : i32
    %div3A_226 = vector.broadcast %jit3A_225 : i32 to vector<128x128xi32>
    %div3A_227 = arith.divsi %iota3A_22, %div3A_226 : vector<128x128xi32>
    %sign3A_228 = arith.constant 0 : i32
    %sign3A_229 = vector.broadcast %sign3A_228 : i32 to vector<128x128xi32>
    %sign3A_230 = arith.cmpi sgt, %iota3A_22, %sign3A_229 : vector<128x128xi32>
    %sign3A_231 = arith.extui %sign3A_230 : vector<128x128xi1> to vector<128x128xi32>
    %sign3A_232 = arith.constant 0 : i32
    %sign3A_233 = vector.broadcast %sign3A_232 : i32 to vector<128x128xi32>
    %sign3A_234 = arith.cmpi slt, %iota3A_22, %sign3A_233 : vector<128x128xi32>
    %sign3A_235 = arith.extui %sign3A_234 : vector<128x128xi1> to vector<128x128xi32>
    %sign3A_236 = arith.subi %sign3A_231, %sign3A_235 : vector<128x128xi32>
    %sign3A_237 = arith.constant 0 : i32
    %sign3A_238 = arith.cmpi sgt, %jit3A_225, %sign3A_237 : i32
    %sign3A_239 = arith.extui %sign3A_238 : i1 to i32
    %sign3A_240 = arith.constant 0 : i32
    %sign3A_241 = arith.cmpi slt, %jit3A_225, %sign3A_240 : i32
    %sign3A_242 = arith.extui %sign3A_241 : i1 to i32
    %sign3A_243 = arith.subi %sign3A_239, %sign3A_242 : i32
    %ne3A_244 = vector.broadcast %sign3A_243 : i32 to vector<128x128xi32>
    %ne3A_245 = arith.cmpi ne, %sign3A_236, %ne3A_244 : vector<128x128xi32>
    %rem3A_246 = vector.broadcast %jit3A_225 : i32 to vector<128x128xi32>
    %rem3A_247 = arith.remsi %iota3A_22, %rem3A_246 : vector<128x128xi32>
    %ne3A_248 = arith.constant 0 : i32
    %ne3A_249 = vector.broadcast %ne3A_248 : i32 to vector<128x128xi32>
    %ne3A_250 = arith.cmpi ne, %rem3A_247, %ne3A_249 : vector<128x128xi32>
    %and3A_251 = arith.andi %ne3A_245, %ne3A_250 : vector<128x128xi1>
    %sub3A_252 = arith.constant 1 : i32
    %sub3A_253 = vector.broadcast %sub3A_252 : i32 to vector<128x128xi32>
    %sub3A_254 = arith.subi %div3A_227, %sub3A_253 : vector<128x128xi32>
    %select_n3A_255 = arith.select %and3A_251, %sub3A_254, %div3A_227 : vector<128x128xi1>, vector<128x128xi32>
    %add3A_256 = arith.constant 64 : i32
    %add3A_257 = vector.broadcast %add3A_256 : i32 to vector<128x128xi32>
    %add3A_258 = arith.addi %add3A_257, %select_n3A_255 : vector<128x128xi32>
    %eq3A_259 = arith.cmpi eq, %iota3A_21, %add3A_258 : vector<128x128xi32>
    %convert_element_type3A_260 = arith.extui %eq3A_259 : vector<128x128xi1> to vector<128x128xi32>
    %convert_element_type3A_261 = arith.sitofp %convert_element_type3A_260 : vector<128x128xi32> to vector<128x128xf32>
    %dot_general3A_262 = arith.constant dense<0.000000e+00> : vector<128x128xf32>
    %dot_general3A_263 = tpu.matmul %add3A_19, %convert_element_type3A_261, %dot_general3A_262 {dimension_numbers = #tpu.dot_dimension_numbers<[1], [0], [0], [1], [0, 0, 1, 1], [], []>, transpose_lhs_hint = false} : vector<128x128xf32>, vector<128x128xf32>, vector<128x128xf32> -> vector<128x128xf32>
    %dot_general3A_264 = arith.constant dense<0.000000e+00> : vector<1024x128xf32>
    %dot_general3A_265 = tpu.matmul %convert_element_type3A_224, %dot_general3A_263, %dot_general3A_264 {dimension_numbers = #tpu.dot_dimension_numbers<[1], [0], [0], [1], [0, 0, 1, 1], [], []>, transpose_lhs_hint = false} : vector<1024x128xf32>, vector<128x128xf32>, vector<1024x128xf32> -> vector<1024x128xf32>
    %add3A_266 = arith.addf %add3A_215, %dot_general3A_265 : vector<1024x128xf32>
    %mul3A_267 = arith.constant 8 : i32
    %mul3A_268 = vector.broadcast %mul3A_267 : i32 to vector<1024x128xi32>
    %mul3A_269 = arith.muli %mul3A_268, %iota3A_20 : vector<1024x128xi32>
    %add3A_270 = arith.constant 5 : i32
    %add3A_271 = vector.broadcast %add3A_270 : i32 to vector<1024x128xi32>
    %add3A_272 = arith.addi %mul3A_269, %add3A_271 : vector<1024x128xi32>
    %eq3A_273 = arith.cmpi eq, %iota3A, %add3A_272 : vector<1024x128xi32>
    %convert_element_type3A_274 = arith.extui %eq3A_273 : vector<1024x128xi1> to vector<1024x128xi32>
    %convert_element_type3A_275 = arith.sitofp %convert_element_type3A_274 : vector<1024x128xi32> to vector<1024x128xf32>
    %jit3A_276 = arith.constant 32 : i32
    %div3A_277 = vector.broadcast %jit3A_276 : i32 to vector<128x128xi32>
    %div3A_278 = arith.divsi %iota3A_22, %div3A_277 : vector<128x128xi32>
    %sign3A_279 = arith.constant 0 : i32
    %sign3A_280 = vector.broadcast %sign3A_279 : i32 to vector<128x128xi32>
    %sign3A_281 = arith.cmpi sgt, %iota3A_22, %sign3A_280 : vector<128x128xi32>
    %sign3A_282 = arith.extui %sign3A_281 : vector<128x128xi1> to vector<128x128xi32>
    %sign3A_283 = arith.constant 0 : i32
    %sign3A_284 = vector.broadcast %sign3A_283 : i32 to vector<128x128xi32>
    %sign3A_285 = arith.cmpi slt, %iota3A_22, %sign3A_284 : vector<128x128xi32>
    %sign3A_286 = arith.extui %sign3A_285 : vector<128x128xi1> to vector<128x128xi32>
    %sign3A_287 = arith.subi %sign3A_282, %sign3A_286 : vector<128x128xi32>
    %sign3A_288 = arith.constant 0 : i32
    %sign3A_289 = arith.cmpi sgt, %jit3A_276, %sign3A_288 : i32
    %sign3A_290 = arith.extui %sign3A_289 : i1 to i32
    %sign3A_291 = arith.constant 0 : i32
    %sign3A_292 = arith.cmpi slt, %jit3A_276, %sign3A_291 : i32
    %sign3A_293 = arith.extui %sign3A_292 : i1 to i32
    %sign3A_294 = arith.subi %sign3A_290, %sign3A_293 : i32
    %ne3A_295 = vector.broadcast %sign3A_294 : i32 to vector<128x128xi32>
    %ne3A_296 = arith.cmpi ne, %sign3A_287, %ne3A_295 : vector<128x128xi32>
    %rem3A_297 = vector.broadcast %jit3A_276 : i32 to vector<128x128xi32>
    %rem3A_298 = arith.remsi %iota3A_22, %rem3A_297 : vector<128x128xi32>
    %ne3A_299 = arith.constant 0 : i32
    %ne3A_300 = vector.broadcast %ne3A_299 : i32 to vector<128x128xi32>
    %ne3A_301 = arith.cmpi ne, %rem3A_298, %ne3A_300 : vector<128x128xi32>
    %and3A_302 = arith.andi %ne3A_296, %ne3A_301 : vector<128x128xi1>
    %sub3A_303 = arith.constant 1 : i32
    %sub3A_304 = vector.broadcast %sub3A_303 : i32 to vector<128x128xi32>
    %sub3A_305 = arith.subi %div3A_278, %sub3A_304 : vector<128x128xi32>
    %select_n3A_306 = arith.select %and3A_302, %sub3A_305, %div3A_278 : vector<128x128xi1>, vector<128x128xi32>
    %add3A_307 = arith.constant 80 : i32
    %add3A_308 = vector.broadcast %add3A_307 : i32 to vector<128x128xi32>
    %add3A_309 = arith.addi %add3A_308, %select_n3A_306 : vector<128x128xi32>
    %eq3A_310 = arith.cmpi eq, %iota3A_21, %add3A_309 : vector<128x128xi32>
    %convert_element_type3A_311 = arith.extui %eq3A_310 : vector<128x128xi1> to vector<128x128xi32>
    %convert_element_type3A_312 = arith.sitofp %convert_element_type3A_311 : vector<128x128xi32> to vector<128x128xf32>
    %dot_general3A_313 = arith.constant dense<0.000000e+00> : vector<128x128xf32>
    %dot_general3A_314 = tpu.matmul %add3A_19, %convert_element_type3A_312, %dot_general3A_313 {dimension_numbers = #tpu.dot_dimension_numbers<[1], [0], [0], [1], [0, 0, 1, 1], [], []>, transpose_lhs_hint = false} : vector<128x128xf32>, vector<128x128xf32>, vector<128x128xf32> -> vector<128x128xf32>
    %dot_general3A_315 = arith.constant dense<0.000000e+00> : vector<1024x128xf32>
    %dot_general3A_316 = tpu.matmul %convert_element_type3A_275, %dot_general3A_314, %dot_general3A_315 {dimension_numbers = #tpu.dot_dimension_numbers<[1], [0], [0], [1], [0, 0, 1, 1], [], []>, transpose_lhs_hint = false} : vector<1024x128xf32>, vector<128x128xf32>, vector<1024x128xf32> -> vector<1024x128xf32>
    %add3A_317 = arith.addf %add3A_266, %dot_general3A_316 : vector<1024x128xf32>
    %mul3A_318 = arith.constant 8 : i32
    %mul3A_319 = vector.broadcast %mul3A_318 : i32 to vector<1024x128xi32>
    %mul3A_320 = arith.muli %mul3A_319, %iota3A_20 : vector<1024x128xi32>
    %add3A_321 = arith.constant 6 : i32
    %add3A_322 = vector.broadcast %add3A_321 : i32 to vector<1024x128xi32>
    %add3A_323 = arith.addi %mul3A_320, %add3A_322 : vector<1024x128xi32>
    %eq3A_324 = arith.cmpi eq, %iota3A, %add3A_323 : vector<1024x128xi32>
    %convert_element_type3A_325 = arith.extui %eq3A_324 : vector<1024x128xi1> to vector<1024x128xi32>
    %convert_element_type3A_326 = arith.sitofp %convert_element_type3A_325 : vector<1024x128xi32> to vector<1024x128xf32>
    %jit3A_327 = arith.constant 32 : i32
    %div3A_328 = vector.broadcast %jit3A_327 : i32 to vector<128x128xi32>
    %div3A_329 = arith.divsi %iota3A_22, %div3A_328 : vector<128x128xi32>
    %sign3A_330 = arith.constant 0 : i32
    %sign3A_331 = vector.broadcast %sign3A_330 : i32 to vector<128x128xi32>
    %sign3A_332 = arith.cmpi sgt, %iota3A_22, %sign3A_331 : vector<128x128xi32>
    %sign3A_333 = arith.extui %sign3A_332 : vector<128x128xi1> to vector<128x128xi32>
    %sign3A_334 = arith.constant 0 : i32
    %sign3A_335 = vector.broadcast %sign3A_334 : i32 to vector<128x128xi32>
    %sign3A_336 = arith.cmpi slt, %iota3A_22, %sign3A_335 : vector<128x128xi32>
    %sign3A_337 = arith.extui %sign3A_336 : vector<128x128xi1> to vector<128x128xi32>
    %sign3A_338 = arith.subi %sign3A_333, %sign3A_337 : vector<128x128xi32>
    %sign3A_339 = arith.constant 0 : i32
    %sign3A_340 = arith.cmpi sgt, %jit3A_327, %sign3A_339 : i32
    %sign3A_341 = arith.extui %sign3A_340 : i1 to i32
    %sign3A_342 = arith.constant 0 : i32
    %sign3A_343 = arith.cmpi slt, %jit3A_327, %sign3A_342 : i32
    %sign3A_344 = arith.extui %sign3A_343 : i1 to i32
    %sign3A_345 = arith.subi %sign3A_341, %sign3A_344 : i32
    %ne3A_346 = vector.broadcast %sign3A_345 : i32 to vector<128x128xi32>
    %ne3A_347 = arith.cmpi ne, %sign3A_338, %ne3A_346 : vector<128x128xi32>
    %rem3A_348 = vector.broadcast %jit3A_327 : i32 to vector<128x128xi32>
    %rem3A_349 = arith.remsi %iota3A_22, %rem3A_348 : vector<128x128xi32>
    %ne3A_350 = arith.constant 0 : i32
    %ne3A_351 = vector.broadcast %ne3A_350 : i32 to vector<128x128xi32>
    %ne3A_352 = arith.cmpi ne, %rem3A_349, %ne3A_351 : vector<128x128xi32>
    %and3A_353 = arith.andi %ne3A_347, %ne3A_352 : vector<128x128xi1>
    %sub3A_354 = arith.constant 1 : i32
    %sub3A_355 = vector.broadcast %sub3A_354 : i32 to vector<128x128xi32>
    %sub3A_356 = arith.subi %div3A_329, %sub3A_355 : vector<128x128xi32>
    %select_n3A_357 = arith.select %and3A_353, %sub3A_356, %div3A_329 : vector<128x128xi1>, vector<128x128xi32>
    %add3A_358 = arith.constant 96 : i32
    %add3A_359 = vector.broadcast %add3A_358 : i32 to vector<128x128xi32>
    %add3A_360 = arith.addi %add3A_359, %select_n3A_357 : vector<128x128xi32>
    %eq3A_361 = arith.cmpi eq, %iota3A_21, %add3A_360 : vector<128x128xi32>
    %convert_element_type3A_362 = arith.extui %eq3A_361 : vector<128x128xi1> to vector<128x128xi32>
    %convert_element_type3A_363 = arith.sitofp %convert_element_type3A_362 : vector<128x128xi32> to vector<128x128xf32>
    %dot_general3A_364 = arith.constant dense<0.000000e+00> : vector<128x128xf32>
    %dot_general3A_365 = tpu.matmul %add3A_19, %convert_element_type3A_363, %dot_general3A_364 {dimension_numbers = #tpu.dot_dimension_numbers<[1], [0], [0], [1], [0, 0, 1, 1], [], []>, transpose_lhs_hint = false} : vector<128x128xf32>, vector<128x128xf32>, vector<128x128xf32> -> vector<128x128xf32>
    %dot_general3A_366 = arith.constant dense<0.000000e+00> : vector<1024x128xf32>
    %dot_general3A_367 = tpu.matmul %convert_element_type3A_326, %dot_general3A_365, %dot_general3A_366 {dimension_numbers = #tpu.dot_dimension_numbers<[1], [0], [0], [1], [0, 0, 1, 1], [], []>, transpose_lhs_hint = false} : vector<1024x128xf32>, vector<128x128xf32>, vector<1024x128xf32> -> vector<1024x128xf32>
    %add3A_368 = arith.addf %add3A_317, %dot_general3A_367 : vector<1024x128xf32>
    %mul3A_369 = arith.constant 8 : i32
    %mul3A_370 = vector.broadcast %mul3A_369 : i32 to vector<1024x128xi32>
    %mul3A_371 = arith.muli %mul3A_370, %iota3A_20 : vector<1024x128xi32>
    %add3A_372 = arith.constant 7 : i32
    %add3A_373 = vector.broadcast %add3A_372 : i32 to vector<1024x128xi32>
    %add3A_374 = arith.addi %mul3A_371, %add3A_373 : vector<1024x128xi32>
    %eq3A_375 = arith.cmpi eq, %iota3A, %add3A_374 : vector<1024x128xi32>
    %convert_element_type3A_376 = arith.extui %eq3A_375 : vector<1024x128xi1> to vector<1024x128xi32>
    %convert_element_type3A_377 = arith.sitofp %convert_element_type3A_376 : vector<1024x128xi32> to vector<1024x128xf32>
    %jit3A_378 = arith.constant 32 : i32
    %div3A_379 = vector.broadcast %jit3A_378 : i32 to vector<128x128xi32>
    %div3A_380 = arith.divsi %iota3A_22, %div3A_379 : vector<128x128xi32>
    %sign3A_381 = arith.constant 0 : i32
    %sign3A_382 = vector.broadcast %sign3A_381 : i32 to vector<128x128xi32>
    %sign3A_383 = arith.cmpi sgt, %iota3A_22, %sign3A_382 : vector<128x128xi32>
    %sign3A_384 = arith.extui %sign3A_383 : vector<128x128xi1> to vector<128x128xi32>
    %sign3A_385 = arith.constant 0 : i32
    %sign3A_386 = vector.broadcast %sign3A_385 : i32 to vector<128x128xi32>
    %sign3A_387 = arith.cmpi slt, %iota3A_22, %sign3A_386 : vector<128x128xi32>
    %sign3A_388 = arith.extui %sign3A_387 : vector<128x128xi1> to vector<128x128xi32>
    %sign3A_389 = arith.subi %sign3A_384, %sign3A_388 : vector<128x128xi32>
    %sign3A_390 = arith.constant 0 : i32
    %sign3A_391 = arith.cmpi sgt, %jit3A_378, %sign3A_390 : i32
    %sign3A_392 = arith.extui %sign3A_391 : i1 to i32
    %sign3A_393 = arith.constant 0 : i32
    %sign3A_394 = arith.cmpi slt, %jit3A_378, %sign3A_393 : i32
    %sign3A_395 = arith.extui %sign3A_394 : i1 to i32
    %sign3A_396 = arith.subi %sign3A_392, %sign3A_395 : i32
    %ne3A_397 = vector.broadcast %sign3A_396 : i32 to vector<128x128xi32>
    %ne3A_398 = arith.cmpi ne, %sign3A_389, %ne3A_397 : vector<128x128xi32>
    %rem3A_399 = vector.broadcast %jit3A_378 : i32 to vector<128x128xi32>
    %rem3A_400 = arith.remsi %iota3A_22, %rem3A_399 : vector<128x128xi32>
    %ne3A_401 = arith.constant 0 : i32
    %ne3A_402 = vector.broadcast %ne3A_401 : i32 to vector<128x128xi32>
    %ne3A_403 = arith.cmpi ne, %rem3A_400, %ne3A_402 : vector<128x128xi32>
    %and3A_404 = arith.andi %ne3A_398, %ne3A_403 : vector<128x128xi1>
    %sub3A_405 = arith.constant 1 : i32
    %sub3A_406 = vector.broadcast %sub3A_405 : i32 to vector<128x128xi32>
    %sub3A_407 = arith.subi %div3A_380, %sub3A_406 : vector<128x128xi32>
    %select_n3A_408 = arith.select %and3A_404, %sub3A_407, %div3A_380 : vector<128x128xi1>, vector<128x128xi32>
    %add3A_409 = arith.constant 112 : i32
    %add3A_410 = vector.broadcast %add3A_409 : i32 to vector<128x128xi32>
    %add3A_411 = arith.addi %add3A_410, %select_n3A_408 : vector<128x128xi32>
    %eq3A_412 = arith.cmpi eq, %iota3A_21, %add3A_411 : vector<128x128xi32>
    %convert_element_type3A_413 = arith.extui %eq3A_412 : vector<128x128xi1> to vector<128x128xi32>
    %convert_element_type3A_414 = arith.sitofp %convert_element_type3A_413 : vector<128x128xi32> to vector<128x128xf32>
    %dot_general3A_415 = arith.constant dense<0.000000e+00> : vector<128x128xf32>
    %dot_general3A_416 = tpu.matmul %add3A_19, %convert_element_type3A_414, %dot_general3A_415 {dimension_numbers = #tpu.dot_dimension_numbers<[1], [0], [0], [1], [0, 0, 1, 1], [], []>, transpose_lhs_hint = false} : vector<128x128xf32>, vector<128x128xf32>, vector<128x128xf32> -> vector<128x128xf32>
    %dot_general3A_417 = arith.constant dense<0.000000e+00> : vector<1024x128xf32>
    %dot_general3A_418 = tpu.matmul %convert_element_type3A_377, %dot_general3A_416, %dot_general3A_417 {dimension_numbers = #tpu.dot_dimension_numbers<[1], [0], [0], [1], [0, 0, 1, 1], [], []>, transpose_lhs_hint = false} : vector<1024x128xf32>, vector<128x128xf32>, vector<1024x128xf32> -> vector<1024x128xf32>
    %add3A_419 = arith.addf %add3A_368, %dot_general3A_418 : vector<1024x128xf32>
    %gt3A = arith.constant 0.000000e+00 : f32
    %gt3A_420 = vector.broadcast %gt3A : f32 to vector<1024x128xf32>
    %gt3A_421 = arith.cmpf ogt, %add3A_419, %gt3A_420 : vector<1024x128xf32>
    %jit3A_422 = arith.constant 1.000000e+00 : f32
    %broadcast_in_dim3A_423 = vector.broadcast %jit3A_422 : f32 to vector<1024x128xf32>
    %select_n3A_424 = arith.select %gt3A_421, %add3A_419, %broadcast_in_dim3A_423 : vector<1024x128xi1>, vector<1024x128xf32>
    %div3A_425 = arith.divf %add3A, %select_n3A_424 : vector<1024x128xf32>
    %swap3A = arith.constant 0 : index
    %swap3A_426 = arith.constant 0 : index
    %swap3A_427 = vector.load %arg3[%swap3A, %swap3A_426] : memref<1024x128xf32, #tpu.memory_space<vmem>>, vector<1024x128xf32>
    tpu.vector_store %arg3[%swap3A, %swap3A_426], %div3A_425 {strides = array<i32>} : memref<1024x128xf32, #tpu.memory_space<vmem>>, vector<1024x128xf32>,
    return
  }
  func.func @transform_0(%arg0: i32) -> (i32, i32, i32) {
    %c0_i32 = arith.constant 0 : i32
    %c0_i32_0 = arith.constant 0 : i32
    %c0_i32_1 = arith.constant 0 : i32
    return %c0_i32, %arg0, %c0_i32_0 : i32, i32, i32
  }
  func.func @transform_1(%arg0: i32) -> (i32, i32, i32) {
    %c0_i32 = arith.constant 0 : i32
    %c0_i32_0 = arith.constant 0 : i32
    %c0_i32_1 = arith.constant 0 : i32
    return %c0_i32, %arg0, %c0_i32_0 : i32, i32, i32
  }
  func.func @transform_2(%arg0: i32) -> (i32, i32) {
    %c0_i32 = arith.constant 0 : i32
    %c0_i32_0 = arith.constant 0 : i32
    return %arg0, %c0_i32 : i32, i32
  }
}

</mosaic_0001>

<sc_bundles>
// kernel: kernel.5.cloned.1.call-start
scs
__scs_entry_jumppad:
0x0: {  	(pc) =	sbr.rel $0x88, $3  }
0x1: {  	(tag) =	ssettag $0x0;
	lr =	simm.s32 $0x1  }
0x2: {  	[smem:$0x3F9E] =	sst lr;
	_ =	strace $0xD0000000  }
0x3: {  	_ = 	snop  }
0x4: {  	_ = 	snop  }
0x5: {  	_ = 	snop  }
0x6: {  	_ = 	snop  }
0x7: {  	_ = 	snop  }
__scs_overlays_trampoline_lowered:
0x8: {  	[smem:$0x3FAD] =	sst s0  }
0x9: {  	[smem:$0x3FAE] =	sst s1  }
0xa: {  	[smem:$0x3FAF] =	sst s2  }
0xb: {  	[smem:$0x3FB0] =	sst s3  }
0xc: {  	[smem:$0x3FB1] =	sst s4  }
0xd: {  	[smem:$0x3FB2] =	sst s5  }
0xe: {  	[smem:$0x3FB3] =	sst s6  }
0xf: {  	[smem:$0x3FB4] =	sst s7  }
0x10: {  	[smem:$0x3FB5] =	sst s8  }
0x11: {  	[smem:$0x3FB6] =	sst s9;
	s0 =	simm.s32 @!p0 $0x0  }
0x12: {  	s1 =	sld [smem:$0x3F9C];
	s0 =	simm.s32 @p0 $0x1  }
0x13: {  	[smem:$0x3FB7] =	sst s0;
	s0 =	simm.s32 @!p1 $0x0  }
0x14: {  	s2 =	sld [smem:$0x3F9B];
	s0 =	simm.s32 @p1 $0x1  }
0x15: {  	[smem:$0x3FB8] =	sst s0;
	s0 =	simm.s32 @!p2 $0x0  }
0x16: {  	s3 =	sld [smem:$0x3FDB];
	s0 =	simm.s32 @p2 $0x1  }
0x17: {  	s4 =	simm.s32 $0x1BF5;
	[smem:$0x3FBA] =	sst s0  }
0x18: {  	s0 =	sld [smem:$0x3F9D];
	_ =	swait.ge [sflag:s4], $0x0  }
0x19: {  	s7 =	sld [smem:$0x3F9E]  }
0x1a: {  	s8 =	sadd.s32 $0xFFFFE003, lr  }
0x1b: {  	s9 =	sadd.s32 $0xFFFFFEF7, lr;
	s5 =	simm.s32 $0xFFFFFFFF;
	p2 =	slt.u32 s8, $0xFFFFF086  }
0x1c: {  	p1 =	slt.u32 s9, $0xF7A;
	s5 =	simm.s32 @!p2 $0x0  }
0x1d: {  	s5 =	simm.s32 @p1 $0x1;
	p0 =	seq.s32 s7, s2  }
0x1e: {  	s7 =	smul.u32 @!p0 $0xF7A, s2;
	p2 =	seq.s32 @!p0 s5, $0x0  }
0x1f: {  	s9 =	smul.u32 $0xF7A, s1;
	s8 =	simm.s32 @!p0 $0x1BF5;
	p2 =	por !p2, p0  }
0x20: {  	[sflag:s8] =	ssyncset.s32 @!p0 $0xFFFFF086;
	s6 =	sadd.s32 @!p0 s3, s7;
	s7 =	simm.s32 @!p0 $0x108  }
0x21: {  	s3 =	sadd.s32 s3, s9;
	s6 =	sadd.s32 @!p0 $0x88, s6;
	s7 =	simm.s32 @p2 $0x1082  }
0x22: {  	[simem:s7], [sflag:s8] =	dma.local @!p0 [hbm:s6], $0xF7A  }
0x23: {  	s9 =	sor.u32 $0xD0000000, s2;
	s6 =	simm.s32 $0x108;
	_ =	swait.ge @!p0 [sflag:s8], $0x0  }
0x24: {  	s3 =	sadd.s32 $0x88, s3;
	s6 =	simm.s32 @!p1 $0x1082;
	[sflag:s4] =	ssyncset.s32 $0xFFFFF086  }
0x25: {  	[simem:s6], [sflag:s4] =	dma.local [hbm:s3], $0xF7A  }
0x26: {  	[smem:$0x3F9E] =	sst s1;
	(tag) =	ssettag s2;
	_ =	strace s9  }
0x27: {  	s1 =	sld [smem:$0x3FAE]  }
0x28: {  	s2 =	sld [smem:$0x3FAF]  }
0x29: {  	s4 =	sld [smem:$0x3FB1]  }
0x2a: {  	p0 =	seq.s32 s5, $0x0;
	s5 =	sld [smem:$0x3FB2]  }
0x2b: {  	s6 =	sld [smem:$0x3FB3]  }
0x2c: {  	s7 =	sld [smem:$0x3FB4]  }
0x2d: {  	s3 =	simm.s32 $0x108;
	s8 =	sld [smem:$0x3FB5]  }
0x2e: {  	s3 =	simm.s32 @!p0 $0x1082;
	s9 =	sld [smem:$0x3FB6]  }
0x2f: {  	lr =	sadd.s32 s0, s3;
	s0 =	sld [smem:$0x3FAD]  }
0x30: {  	s3 =	sld [smem:$0x3FB0]  }
0x31: {  	[smem:$0x3FB9] =	sst s10  }
0x32: {  	s10 =	sld [smem:$0x3FB7];
	_ =	sdelay $0x3  }
0x33: {  	p0 =	seq.s32 s10, $0x1;
	s10 =	sld [smem:$0x3FB9];
	_ =	sdelay $0x3  }
0x34: {  	[smem:$0x3FB9] =	sst s10  }
0x35: {  	s10 =	sld [smem:$0x3FB8];
	_ =	sdelay $0x3  }
0x36: {  	p1 =	seq.s32 s10, $0x1;
	s10 =	sld [smem:$0x3FB9];
	_ =	sdelay $0x3  }
0x37: {  	[smem:$0x3FB9] =	sst s10  }
0x38: {  	s10 =	sld [smem:$0x3FBA]  }
0x39: {  	_ = 	snop;
	(pc) =	sbr.ind lr, $3  }
0x3a: {  	_ = 	snop  }
0x3b: {  	_ = 	snop  }
0x3c: {  	p2 =	seq.s32 s10, $0x1;
	s10 =	sld [smem:$0x3FB9]  }
0x3d: {  	_ =	shalt  }
0x3e: {  	_ =	shalt  }
0x3f: {  	_ =	shalt  }
0x40: {  	_ =	shalt  }
0x41: {  	_ =	shalt  }
0x42: {  	_ =	shalt  }
0x43: {  	_ =	shalt  }
0x44: {  	_ =	shalt  }
0x45: {  	_ =	shalt  }
0x46: {  	_ =	shalt  }
0x47: {  	_ =	shalt  }
0x48: {  	_ =	shalt  }
0x49: {  	_ =	shalt  }
0x4a: {  	_ =	shalt  }
0x4b: {  	_ =	shalt  }
0x4c: {  	_ =	shalt  }
0x4d: {  	_ =	shalt  }
0x4e: {  	_ =	shalt  }
0x4f: {  	_ =	shalt  }
0x50: {  	_ =	shalt  }
0x51: {  	_ =	shalt  }
0x52: {  	_ =	shalt  }
0x53: {  	_ =	shalt  }
0x54: {  	_ =	shalt  }
0x55: {  	_ =	shalt  }
0x56: {  	_ =	shalt  }
0x57: {  	_ =	shalt  }
0x58: {  	_ =	shalt  }
0x59: {  	_ =	shalt  }
0x5a: {  	_ =	shalt  }
0x5b: {  	_ =	shalt  }
0x5c: {  	_ =	shalt  }
0x5d: {  	_ =	shalt  }
0x5e: {  	_ =	shalt  }
0x5f: {  	_ =	shalt  }
0x60: {  	_ =	shalt  }
0x61: {  	_ =	shalt  }
0x62: {  	_ =	shalt  }
0x63: {  	_ =	shalt  }
0x64: {  	_ =	shalt  }
0x65: {  	_ =	shalt  }
0x66: {  	_ =	shalt  }
0x67: {  	_ =	shalt  }
0x68: {  	_ =	shalt  }
0x69: {  	_ =	shalt  }
0x6a: {  	_ =	shalt  }
0x6b: {  	_ =	shalt  }
0x6c: {  	_ =	shalt  }
0x6d: {  	_ =	shalt  }
0x6e: {  	_ =	shalt  }
0x6f: {  	_ =	shalt  }
0x70: {  	_ =	shalt  }
0x71: {  	_ =	shalt  }
0x72: {  	_ =	shalt  }
0x73: {  	_ =	shalt  }
0x74: {  	_ =	shalt  }
0x75: {  	_ =	shalt  }
0x76: {  	_ =	shalt  }
0x77: {  	_ =	shalt  }
0x78: {  	_ =	shalt  }
0x79: {  	_ =	shalt  }
0x7a: {  	_ =	shalt  }
0x7b: {  	_ =	shalt  }
0x7c: {  	_ =	shalt  }
0x7d: {  	_ =	shalt  }
0x7e: {  	_ =	shalt  }
0x7f: {  	_ =	shalt  }
0x80: {  	_ =	shalt  }
0x81: {  	_ =	shalt  }
0x82: {  	_ =	shalt  }
0x83: {  	_ =	shalt  }
0x84: {  	_ =	shalt  }
0x85: {  	_ =	shalt  }
0x86: {  	_ =	shalt  }
0x87: {  	_ =	shalt  }
.Lfunc_end0:
.L_simem_size_0:
called_computation_lowered:
.L_overlay_start_0:
0x88: {  	s2 =	sld [smem:$0x3FD9]  }
0x89: {  	s3 =	sld [smem:$0x3FFE];
	_ =	sdelay $0x1  }
0x8a: {  	s1 =	srdreg.scid  }
0x8b: {  	s0 =	sand.u32 $0x1, s1  }
0x8c: {  	s17 =	sshll.u32 s0, $0xA;
	s2 =	sadd.s32 s3, s2  }
0x8d: {  	s2 =	sadd.s32 s2, s17  }
0x8e: {  	[smem:$0x3FC5] =	sst s2  }
0x8f: {  	_ = 	snop  }
0x90: {  	s2 =	sld [smem:$0x3FD0];
	(tm) =	ssettm $0x1  }
0x91: {  	s18 =	sld [smem:$0x3FFB];
	_ =	sdelay $0x3  }
0x92: {  	_ =	strace s18  }
0x93: {  	s3 =	sld [smem:$0x3FFC];
	_ =	sdelay $0x3  }
0x94: {  	_ =	strace s3  }
0x95: {  	s3 =	sld [smem:$0x3FFD];
	_ =	sdelay $0x3  }
0x96: {  	_ =	strace s3  }
0x97: {  	_ =	strace $0x8FFFFFFF  }
0x98: {  	s19 =	sld [smem:$0x3FDB];
	_ =	sdelay $0x1  }
0x99: {  	s4 =	simm.s32 $_scs_section_size  }
0x9a: {  	s5 =	simm.s32 $_size__tile_overlayer_lowered;
	s6 =	simm.s32 $_tile_overlayer_lowered  }
0x9b: {  	s22 =	simm.s32 $0x1BFF;
	s21 =	sshll.u32 s6, $0x1;
	s3 =	sadd.s32 s4, s19  }
0x9c: {  	s7 =	simm.s32 $0x0;
	s20 =	sshll.u32 s5, $0x1;
	s5 =	sadd.s32 s21, s3  }
0x9d: {  	[timem:s7], [sflag:s22] =	dma.local [hbm:s5], s20  }
0x9e: {  	_ =	swait.ge [sflag:s22], s20  }
0x9f: {  	s4 =	ssub.s32 $0x0, s20;
	[sflag:s22] =	ssyncset.done $0x0  }
0xa0: {  	[sflag:s22] =	ssyncadd.s32 s4;
	_ =	sdelay $0x1  }
0xa1: {  	s23 =	simm.s32 $0x1B8B  }
0xa2: {  	_ =	swait.ge [sflag:s23], $0x1  }
0xa3: {  	[sflag:s23] =	ssyncset.done $0x0  }
0xa4: {  	s25 =	simm.s32 $0x1B8E;
	s24 =	sld [smem:$0x3FFE];
	[sflag:s23] =	ssyncadd.s32 $0xFFFFFFFF  }
0xa5: {  	s26 =	simm.s32 $execute0_lowered;
	[smem:$0x3FD2] =	sst s25  }
0xa6: {  	s5 =	sshll.u32 s26, $0x1;
	_ =	strace $0x80000046;
	[dreg:$0x1] =	wrdreg $0xFFFFFFFF  }
0xa7: {  	s28 =	simm.s32 $_size_execute0_lowered;
	s3 =	sadd.s32 s3, s5;
	[dreg:$0x0] =	wrdreg $0x0  }
0xa8: {  	s5 =	sshll.u32 s28, $0x1;
	[dreg:$0x2] =	wrdreg s3  }
0xa9: {  	[dreg:$0x3] =	wrdreg s5  }
0xaa: {  	[dreg:$0x4] =	wrdreg $0xC0  }
0xab: {  	_ =	task [dreg:s7], $0x5FFFF  }
0xac: {  	[dreg:$0x1] =	wrdreg $0xFFFFFFFF  }
0xad: {  	[dreg:$0x0] =	wrdreg $0x60  }
0xae: {  	[dreg:$0x2] =	wrdreg s2  }
0xaf: {  	[dreg:$0x3] =	wrdreg s24  }
0xb0: {  	[dreg:$0x4] =	wrdreg $0x79800  }
0xb1: {  	[dreg:$0x5] =	wrdreg $0x1B9800  }
0xb2: {  	[dreg:$0x6] =	wrdreg $0x9  }
0xb3: {  	_ =	task.clear_ibuf [dreg:s7], $0x7FFFF;
	_ =	strace $0x90000046  }
0xb4: {  	s29 =	simm.s32 $0x9;
	_ =	strace $0x80000048  }
0xb5: {  	_ =	swait.ge [sflag:s29], $0x1  }
0xb6: {  	[sflag:s29] =	ssyncadd.s32 $0xFFFFFFFF  }
0xb7: {  	_ =	strace $0x90000048  }
0xb8: {  	_ =	sfence  }
0xb9: {  	s30 =	sld [smem:$0x0];
	_ =	sdelay $0x2  }
0xba: {  	s31 =	sshll.u32 s1, $0xD;
	s1 =	sshrl.u32 s1, $0x2  }
0xbb: {  	s3 =	sand.u32 $0x4000, s31;
	s1 =	sadd.s32 s1, s30  }
0xbc: {  	s0 =	sor.u32 s3, s0;
	s1 =	sshll.u32 s1, $0x11  }
0xbd: {  	s0 =	sor.u32 s1, s0  }
0xbe: {  	s0 =	sadd.s32 $0x8F2B, s0  }
0xbf: {  	[sflag:s0] =	ssyncadd.remote.s32 $0x1  }
0xc0: {  	_ =	sfence.sel $0xFFFF  }
0xc1: {  	[dreg:$0x0] =	wrdreg $0xFFFFFFFF;
	(pc) =	sbr.abs _section_cstart, $3  }
0xc2: {  	[dreg:$0x1] =	wrdreg $0xFFFFFFFF  }
0xc3: {  	_ =	task.clear_ibuf [dreg:s7], $0x2FFFF;
	_ =	strace $0x9FFFFFFF  }
0xc4: {  	(tm) =	ssettm $0x7FFFFFFF  }
0xc5: {  	_ =	shalt  }
tec
execute0_lowered:
.L_overlay_start_1:
0x0: {  	(tag) =	ssettag $0x1  }
0x1: {  	s0 =	rddreg [dreg:$0x0]  }
0x2: {  	s1 =	rddreg [dreg:$0x1]  }
0x3: {  	s2 =	srdreg.scid;
	s13 =	stileid.u32  }
0x4: {  	s3 =	rddreg [dreg:$0x2];
	s8 =	smul.u32 $0x14000, s13  }
0x5: {  	s4 =	rddreg [dreg:$0x3];
	s10 =	smul.u32 $0x2800, s13  }
0x6: {  	s5 =	simm.s32 $0x0;
	s2 =	sand.u32 $0x1, s2;
	s11 =	smul.u32 $0x50000, s13  }
0x7: {  	s28 =	simm.s32 $0x1;
	s29 =	simm.s32 $0x100;
	s7 =	smul.u32 $0x140000, s2  }
0x8: {  	s30 =	simm.s32 $0x0;
	[smem:$0x7FF] =	sst s5;
	s19 =	smul.u32 $0xA000, s13  }
0x9: {  	s6 =	sadd.s32 $0xA600, s1;
	s9 =	smul.u32 $0x28000, s2;
	s8 =	sadd.s32 s8, s7  }
0xa: {  	_ =	strace $0x80000047;
	s18 =	sshrl.u32 s11, $0x2;
	s8 =	sshrl.u32 s8, $0x3  }
0xb: {  	s31 =	ssub.s32 $0x2, s2;
	s12 =	sadd.s32 s8, s1;
	s8 =	sadd.s32 s18, s3  }
0xc: {  	s2 =	sshll.u32 s2, $0x4;
	s14 =	sshrl.u32 s31, $0x1;
	s20 =	sadd.s32 $0x2800, s8  }
0xd: {  	s2 =	sor.u32 s13, s2;
	s21 =	sadd.s32 $0x5000, s8;
	[dreg:$0x5] =	wrdreg s20  }
0xe: {  	s7 =	sadd.s32 $0x800, s1;
	s22 =	sadd.s32 $0x7800, s8;
	[dreg:$0x6] =	wrdreg s21  }
0xf: {  	s9 =	sadd.s32 s10, s9;
	s23 =	sadd.s32 $0xA000, s8;
	[dreg:$0x7] =	wrdreg s22  }
0x10: {  	s15 =	ssub.s32 s31, s14;
	s24 =	sadd.s32 $0xC800, s8;
	[dreg:$0x8] =	wrdreg s23  }
0x11: {  	s10 =	sshrl.u32 s19, $0x2;
	s25 =	sadd.s32 $0xF000, s8;
	[dreg:$0x9] =	wrdreg s24  }
0x12: {  	s9 =	sshrl.u32 s9, $0x3;
	s26 =	sadd.s32 $0x11800, s8;
	[dreg:$0xa] =	wrdreg s25  }
0x13: {  	s1 =	sadd.s32 s9, s1;
	s31 =	sadd.s32 $0x14400, s12;
	[dreg:$0xb] =	wrdreg s26  }
0x14: {  	s17 =	smul.u32 $0x2710, s2;
	s1 =	sadd.s32 $0x64400, s1;
	[dreg:$0xc] =	wrdreg s31  }
0x15: {  	s16 =	sadd.s32 s10, s4;
	[dreg:$0xd] =	wrdreg s1;
	s20 =	smax.u32 s15, $0x1  }
0x16: {  	v0 =	vimm.f32 $0.0e+00;
	vm0 =	vcmask $0x3F10;
	s21 =	simm.s32 $0x2980;
	s22 =	simm.s32 $0x2;
	s23 =	simm.s32 $0x5180  }
0x17: {  	vm1 =	vcmask $0x3F0C;
	vm2 =	vcmask $0x3F08;
	vm3 =	vmmov $0x1;
	s24 =	simm.s32 $0x80;
	s25 =	simm.s32 $0x50;
	s26 =	simm.s32 $0x180  }
.LBB2_1:
0x18: {  	s1 =	simm.s32 $0x0;
	s2 =	simm.s32 $0x200  }
.LBB2_2:
0x19: {  	p0 =	sne.s32 s2, $0x9E00;
	[tilespmem:s1+$0x51F0] =	vst v0  }
0x1a: {  	[tilespmem:s1+$0x2980] =	vst v0  }
0x1b: {  	[tilespmem:s1+$0x5180] =	vst v0  }
0x1c: {  	[tilespmem:s1+$0x2990] =	vst v0  }
0x1d: {  	[tilespmem:s1+$0x5190] =	vst v0  }
0x1e: {  	[tilespmem:s1+$0x29A0] =	vst v0  }
0x1f: {  	[tilespmem:s1+$0x51A0] =	vst v0  }
0x20: {  	[tilespmem:s1+$0x29B0] =	vst v0  }
0x21: {  	[tilespmem:s1+$0x51B0] =	vst v0  }
0x22: {  	[tilespmem:s1+$0x29C0] =	vst v0  }
0x23: {  	[tilespmem:s1+$0x51C0] =	vst v0  }
.Ltmp0:
0x24: {  	[tilespmem:s1+$0x29D0] =	vst v0;
	(pc) =	sbr.rel @p0 .LBB2_2-.Ltmp0, $4  }
0x25: {  	[tilespmem:s1+$0x51D0] =	vst v0  }
0x26: {  	[tilespmem:s1+$0x29E0] =	vst v0  }
0x27: {  	[tilespmem:s1+$0x51E0] =	vst v0  }
0x28: {  	[tilespmem:s1+$0x29F0] =	vst v0;
	s1 =	sshra.s32 s2, $0x2;
	s2 =	sadd.s32 $0x200, s2  }
0x29: {  	[tilespmem:s1+$0x51F0] =	vst v0  }
0x2a: {  	[tilespmem:s1+$0x2980] =	vst v0  }
0x2b: {  	[tilespmem:s1+$0x5180] =	vst v0  }
0x2c: {  	[tilespmem:s1+$0x2990] =	vst v0  }
0x2d: {  	[tilespmem:s1+$0x5190] =	vst v0  }
0x2e: {  	[tilespmem:s1+$0x29A0] =	vst v0  }
0x2f: {  	[tilespmem:s1+$0x51A0] =	vst v0  }
0x30: {  	[tilespmem:s1+$0x29B0] =	vst v0  }
0x31: {  	[tilespmem:s1+$0x51B0] =	vst v0  }
0x32: {  	[tilespmem:s1+$0x29C0] =	vst v0  }
0x33: {  	[tilespmem:s1+$0x51C0] =	vst v0  }
0x34: {  	[tilespmem:s1+$0x29D0] =	vst v0  }
0x35: {  	[tilespmem:s1+$0x51D0] =	vst v0  }
0x36: {  	[tilespmem:s1+$0x29E0] =	vst v0  }
0x37: {  	[tilespmem:s1+$0x51E0] =	vst v0  }
0x38: {  	[tilespmem:s1+$0x29F0] =	vst v0  }
0x39: {  	[spmem:s8] =	stream.linear.scatter [tilespmem:s21], [sflag:$0x2], $0x2800, $0x38;
	[tilespmem:$0x1E180] =	vst v63  }
0x3a: {  	_ =	swait.ge [sflag:s22], $0x2800  }
0x3b: {  	[sflag:s22] =	ssyncset.done $0x0  }
0x3c: {  	s11 =	rddreg [dreg:$0x5];
	[sflag:s22] =	ssyncadd.s32 $0xFFFFD800  }
0x3d: {  	[spmem:s11] =	stream.linear.scatter [tilespmem:s21], [sflag:$0x2], $0x2800, $0x38;
	[tilespmem:$0x1E180] =	vst v63  }
0x3e: {  	_ =	swait.ge [sflag:s22], $0x2800  }
0x3f: {  	[sflag:s22] =	ssyncset.done $0x0  }
0x40: {  	s12 =	rddreg [dreg:$0x6];
	[sflag:s22] =	ssyncadd.s32 $0xFFFFD800  }
0x41: {  	[spmem:s12] =	stream.linear.scatter [tilespmem:s21], [sflag:$0x2], $0x2800, $0x38;
	[tilespmem:$0x1E180] =	vst v63  }
0x42: {  	_ =	swait.ge [sflag:s22], $0x2800  }
0x43: {  	[sflag:s22] =	ssyncset.done $0x0  }
0x44: {  	s13 =	rddreg [dreg:$0x7];
	[sflag:s22] =	ssyncadd.s32 $0xFFFFD800  }
0x45: {  	[spmem:s13] =	stream.linear.scatter [tilespmem:s21], [sflag:$0x2], $0x2800, $0x38;
	[tilespmem:$0x1E180] =	vst v63  }
0x46: {  	_ =	swait.ge [sflag:s22], $0x2800  }
0x47: {  	[sflag:s22] =	ssyncset.done $0x0  }
0x48: {  	s14 =	rddreg [dreg:$0x8];
	[sflag:s22] =	ssyncadd.s32 $0xFFFFD800  }
0x49: {  	[spmem:s14] =	stream.linear.scatter [tilespmem:s21], [sflag:$0x2], $0x2800, $0x38;
	[tilespmem:$0x1E180] =	vst v63  }
0x4a: {  	_ =	swait.ge [sflag:s22], $0x2800  }
0x4b: {  	[sflag:s22] =	ssyncset.done $0x0  }
0x4c: {  	s15 =	rddreg [dreg:$0x9];
	[sflag:s22] =	ssyncadd.s32 $0xFFFFD800  }
0x4d: {  	[spmem:s15] =	stream.linear.scatter [tilespmem:s21], [sflag:$0x2], $0x2800, $0x38;
	[tilespmem:$0x1E180] =	vst v63  }
0x4e: {  	_ =	swait.ge [sflag:s22], $0x2800  }
0x4f: {  	[sflag:s22] =	ssyncset.done $0x0  }
0x50: {  	s18 =	rddreg [dreg:$0xa];
	[sflag:s22] =	ssyncadd.s32 $0xFFFFD800  }
0x51: {  	[spmem:s18] =	stream.linear.scatter [tilespmem:s21], [sflag:$0x2], $0x2800, $0x38;
	[tilespmem:$0x1E180] =	vst v63  }
0x52: {  	_ =	swait.ge [sflag:s22], $0x2800  }
0x53: {  	[sflag:s22] =	ssyncset.done $0x0  }
0x54: {  	s19 =	rddreg [dreg:$0xb];
	[sflag:s22] =	ssyncadd.s32 $0xFFFFD800  }
0x55: {  	[spmem:s19] =	stream.linear.scatter [tilespmem:s21], [sflag:$0x2], $0x2800, $0x38;
	[tilespmem:$0x1E180] =	vst v63  }
0x56: {  	_ =	swait.ge [sflag:s22], $0x2800  }
0x57: {  	[sflag:s22] =	ssyncset.done $0x0  }
0x58: {  	[sflag:s22] =	ssyncadd.s32 $0xFFFFD800  }
0x59: {  	[spmem:s16] =	stream.linear.scatter [tilespmem:s23], [sflag:$0x2], $0x2800, $0x38;
	[tilespmem:$0x1E180] =	vst v63  }
0x5a: {  	_ =	swait.ge [sflag:s22], $0x2800  }
0x5b: {  	[sflag:s22] =	ssyncset.done $0x0  }
0x5c: {  	[sflag:s22] =	ssyncadd.s32 $0xFFFFD800  }
0x5d: {  	s31 =	smov.u32 s17;
	s2 =	simm.s32 $0x0;
	[bflag:$0x0] =	sbarrier.arrive $0xFFFF  }
.LBB2_4:
0x5e: {  	s1 =	sshrl.u32 s31, $0x3  }
0x5f: {  	s9 =	sadd.s32 s6, s1  }
0x60: {  	[tilespmem:s30], [sflag:$0x2] =	stream.linear.gather [hbm4b:s9+s30], $0x50, $0x38;
	[tilespmem:$0x1E180] =	vst v63  }
0x61: {  	_ =	swait.ge [sflag:s22], $0x50  }
0x62: {  	[sflag:s22] =	ssyncset.done $0x0  }
0x63: {  	s1 =	sadd.s32 s7, s1;
	[sflag:s22] =	ssyncadd.s32 $0xFFFFFFB0  }
0x64: {  	[tilespmem:s24], [sflag:$0x2] =	stream.linear.gather [hbm4b:s1+s30], $0x50, $0x38;
	[tilespmem:$0x1E180] =	vst v63  }
0x65: {  	_ =	swait.ge [sflag:s22], $0x50  }
0x66: {  	[sflag:s22] =	ssyncset.done $0x0  }
0x67: {  	[sflag:s22] =	ssyncadd.s32 $0xFFFFFFB0  }
0x68: {  	[tilespmem:s26], [sflag:$0x1] =	stream.indirect.gather [hbm4b:s0+s25], $0x80, s30, s25, $0xb8;
	[tilespmem:$0x1E180] =	vst v63  }
0x69: {  	_ =	swait.ge [sflag:s28], $0x2800  }
0x6a: {  	[sflag:s28] =	ssyncset.done $0x0  }
0x6b: {  	[sflag:s28] =	ssyncadd.s32 $0xFFFFD800  }
0x6c: {  	[tilespmem:s21], [sflag:$0x1] =	stream.indirect.gather [hbm4b:s0+s25], $0x80, s24, s25, $0xb8;
	[tilespmem:$0x1E180] =	vst v63  }
0x6d: {  	_ =	swait.ge [sflag:s28], $0x2800  }
0x6e: {  	[sflag:s28] =	ssyncset.done $0x0  }
0x6f: {  	[sflag:s28] =	ssyncadd.s32 $0xFFFFD800  }
0x70: {  	v1 =	vld [tilespmem:$0x80]  }
0x71: {  	v2 =	vld [tilespmem:$0x90]  }
0x72: {  	v3 =	vld [tilespmem:$0xA0]  }
0x73: {  	v4 =	vld [tilespmem:$0xB0]  }
0x74: {  	v5 =	vld [tilespmem:$0xC0]  }
0x75: {  	v1 =	vshrl.u32 v1, $0x3  }
0x76: {  	[tilespmem:$0x100] =	vst v1;
	v1 =	vshrl.u32 v2, $0x3  }
0x77: {  	[tilespmem:$0x110] =	vst v1;
	v1 =	vshrl.u32 v3, $0x3  }
0x78: {  	[tilespmem:$0x120] =	vst v1;
	v1 =	vshrl.u32 v4, $0x3  }
0x79: {  	[tilespmem:$0x130] =	vst v1;
	v1 =	vshrl.u32 v5, $0x3  }
0x7a: {  	s10 =	simm.s32 $0x29C0;
	[tilespmem:$0x140] =	vst v1  }
0x7b: {  	v9 =	vld [tilespmem:s10+$0x30]  }
0x7c: {  	s11 =	simm.s32 $0x1C0;
	v10 =	vld [tilespmem:s10+$0x10]  }
0x7d: {  	v1 =	vld [tilespmem:s11+$0xFFFFFFC0]  }
0x7e: {  	v13 =	vld [tilespmem:s10+$0xFFFFFFF0]  }
0x7f: {  	v14 =	vld [tilespmem:s10+$0xFFFFFFE0]  }
0x80: {  	v7 =	vld [tilespmem:s11+$0xFFFFFFE0]  }
0x81: {  	v8 =	vld [tilespmem:s11+$0xFFFFFFF0]  }
0x82: {  	v5 =	vld [tilespmem:s11+$0x20]  }
0x83: {  	v15 =	vld [tilespmem:s10+$0x20]  }
0x84: {  	v6 =	vld [tilespmem:s11+$0x30]  }
0x85: {  	v11 =	vld [tilespmem:s10+$0xFFFFFFD0]  }
0x86: {  	v12 =	vld [tilespmem:s10+$0xFFFFFFC0];
	v14 =	vmul.f32 v14, v7;
	v13 =	vmul.f32 v13, v8  }
0x87: {  	v4 =	vld [tilespmem:s11+$0xFFFFFFD0]  }
0x88: {  	v2 =	vld [tilespmem:s11+$0x10];
	v13 =	vadd.f32 v13, v14  }
0x89: {  	v3 =	vld [tilespmem:s11+$0x0];
	v15 =	vmul.f32 v15, v5;
	v9 =	vmul.f32 v9, v6  }
0x8a: {  	v16 =	vld [tilespmem:s10+$0x0];
	(xrf2) =	vadd.scan.msk.f32 $0xffff, v13  }
0x8b: {  	v9 =	vadd.f32 v9, v15;
	_ =	sdelay $0x1  }
0x8c: {  	v12 =	vmul.f32 v12, v1;
	v11 =	vmul.f32 v11, v4;
	(xrf2) =	vadd.scan.msk.f32 $0xffff, v9;
	_ =	sdelay $0x1  }
0x8d: {  	v10 =	vmul.f32 v10, v2;
	v63 =	vmul.f32 v16, v3;
	v11 =	vadd.f32 v11, v12;
	_ =	sdelay $0x1  }
0x8e: {  	v10 =	vadd.f32 v10, v63;
	(xrf2) =	vadd.scan.msk.f32 $0xffff, v11;
	_ =	sdelay $0x1  }
0x8f: {  	(xrf2) =	vadd.scan.msk.f32 $0xffff, v10  }
0x90: {  	v9, _, _ =	vpop (xrf2)  }
0x91: {  	(v2sf) =	vpush v9, $0xF;
	_ =	sdelay $0x1  }
0x92: {  	v9, _, _ =	vpop (xrf2)  }
0x93: {  	(v2sf) =	vpush v9, $0xF;
	_ =	sdelay $0x2  }
0x94: {  	v9, _, _ =	vpop (xrf2)  }
0x95: {  	(v2sf) =	vpush v9, $0xF  }
0x96: {  	s13 =	simm.s32 $0x51C0;
	s14 =	simm.s32 $0x1;
	v9, _, _ =	vpop (xrf2)  }
0x97: {  	s12 =	simm.s32 $0x0;
	s9 =	simm.s32 $0x29C0;
	s1 =	simm.s32 $0x51C0;
	(v2sf) =	vpush v9, $0xF  }
.LBB2_5:
0x98: {  	_ =	sdelay $0x2  }
0x99: {  	s11 =	sadd.s32 $0x80, s11;
	s10 =	sadd.s32 $0x80, s10;
	s13 =	sadd.s32 $0x80, s13  }
0x9a: {  	p0 =	sne.s32 s14, $0x4F;
	s15 =	smov.u32 s14;
	s14 =	sadd.s32 $0x1, s14  }
0x9b: {  	s18 =	spop (v2sf)  }
0x9c: {  	s18 =	smul.f32 $1.767766920e-01, s18;
	_ =	sdelay $0x1  }
0x9d: {  	v9 =	vmov s18;
	s18 =	spop (v2sf)  }
0x9e: {  	v9 =	vmul.f32 $1.442695020e+00, v9;
	s18 =	smul.f32 $1.767766920e-01, s18;
	_ =	sdelay $0x1  }
0x9f: {  	v9 =	vbroadcast v9, $0x0;
	v10 =	vmov s18  }
0xa0: {  	v10 =	vmul.f32 $1.442695020e+00, v10;
	s18 =	spop (v2sf)  }
0xa1: {  	s18 =	smul.f32 $1.767766920e-01, s18;
	(erf) = vpow2.f32 v9  }
0xa2: {  	v9 =	vbroadcast v10, $0x0;
	s19 =	spop (v2sf)  }
0xa3: {  	v10 =	vmov s18;
	s18 =	smul.f32 $1.767766920e-01, s19  }
0xa4: {  	v10 =	vmul.f32 $1.442695020e+00, v10;
	(erf) = vpow2.f32 v9  }
0xa5: {  	v9 =	vmov s18  }
0xa6: {  	v10 =	vbroadcast v10, $0x0;
	v9 =	vmul.f32 $1.442695020e+00, v9  }
0xa7: {  	v11 =	vmov s12;
	s12 =	smov.u32 s15  }
0xa8: {  	v9 =	vbroadcast v9, $0x0;
	(erf) = vpow2.f32 v10;
	_ =	sdelay $0x1  }
0xa9: {  	v10 =	vpop (erf);
	(erf) = vpow2.f32 v9  }
0xaa: {  	v7 =	vmul.f32 v10, v7;
	v12 =	vmul.f32 v10, v8  }
0xab: {  	v9 =	vld.idx.msk [tilespmem:v11+s24+$0x0], $0xffff  }
0xac: {  	[tilespmem:s9+$0xFFFFFFF0] =	vst v12;
	v8 =	vpop (erf)  }
0xad: {  	[tilespmem:s9+$0xFFFFFFE0] =	vst v7;
	v11 =	vmul.f32 v8, v5;
	v6 =	vmul.f32 v8, v6;
	v7 =	vsel vm0, $0x0, v8;
	_ =	sdelay $0x1  }
0xae: {  	[tilespmem:s9+$0x20] =	vst v11  }
0xaf: {  	[tilespmem:s9+$0x30] =	vst v6;
	v5 =	vpop (erf)  }
0xb0: {  	v6 =	vand.u32 $0x7, v9;
	v1 =	vmul.f32 v5, v1;
	v4 =	vmul.f32 v5, v4  }
0xb1: {  	vm4 =	veq.s32 v6, $0x0;
	vm5 =	veq.s32 v6, $0x2;
	vm6 =	veq.s32 v6, $0x7;
	v8 =	vpop (erf)  }
0xb2: {  	[tilespmem:s9+$0xFFFFFFC0] =	vst v1;
	v1 =	vmul.f32 v8, v3;
	v2 =	vmul.f32 v8, v2;
	v3 =	vsel vm1, v7, v8  }
0xb3: {  	vm7 =	veq.s32 v6, $0x1;
	vm8 =	veq.s32 v6, $0x6;
	[tilespmem:s9+$0xFFFFFFD0] =	vst v4;
	v3 =	vsel vm2, v3, v10  }
0xb4: {  	vm9 =	veq.s32 v6, $0x4;
	vm10 =	veq.s32 v6, $0x5;
	[tilespmem:s9+$0x0] =	vst v1;
	v1 =	vsel vm3, v5, v3  }
0xb5: {  	[tilespmem:s9+$0x10] =	vst v2;
	v2 =	vnsel vm9, $0x0, v1;
	v3 =	vnsel vm10, $0x0, v1;
	v4 =	vnsel vm8, $0x0, v1;
	s9 =	smov.u32 s10  }
0xb6: {  	v5 =	vnsel vm7, $0x0, v1;
	v7 =	vnsel vm5, $0x0, v1;
	[tilespmem:s1+$0x20] =	vst v4;
	v4 =	vnsel vm6, $0x0, v1  }
0xb7: {  	v8 =	vnsel vm4, $0x0, v1;
	vm4 =	veq.s32 v6, $0x3;
	[tilespmem:s1+$0x30] =	vst v4  }
0xb8: {  	v1 =	vnsel vm4, $0x0, v1;
	[tilespmem:s1+$0xFFFFFFC0] =	vst v8  }
0xb9: {  	[tilespmem:s1+$0xFFFFFFF0] =	vst v1  }
0xba: {  	[tilespmem:s1+$0x0] =	vst v2  }
0xbb: {  	[tilespmem:s1+$0x10] =	vst v3  }
0xbc: {  	[tilespmem:s1+$0xFFFFFFD0] =	vst v5  }
0xbd: {  	[tilespmem:s1+$0xFFFFFFE0] =	vst v7;
	s1 =	smov.u32 s13  }
0xbe: {  	v9 =	vld [tilespmem:s10+$0x30]  }
0xbf: {  	v10 =	vld [tilespmem:s10+$0x10]  }
0xc0: {  	v1 =	vld [tilespmem:s11+$0xFFFFFFC0]  }
0xc1: {  	v11 =	vld [tilespmem:s10+$0xFFFFFFD0]  }
0xc2: {  	v12 =	vld [tilespmem:s10+$0xFFFFFFC0]  }
0xc3: {  	v13 =	vld [tilespmem:s10+$0xFFFFFFF0]  }
0xc4: {  	v5 =	vld [tilespmem:s11+$0x20]  }
0xc5: {  	v14 =	vld [tilespmem:s10+$0xFFFFFFE0]  }
0xc6: {  	v7 =	vld [tilespmem:s11+$0xFFFFFFE0]  }
0xc7: {  	v15 =	vld [tilespmem:s10+$0x20]  }
0xc8: {  	v8 =	vld [tilespmem:s11+$0xFFFFFFF0]  }
0xc9: {  	v4 =	vld [tilespmem:s11+$0xFFFFFFD0]  }
0xca: {  	v6 =	vld [tilespmem:s11+$0x30]  }
0xcb: {  	v2 =	vld [tilespmem:s11+$0x10]  }
0xcc: {  	v3 =	vld [tilespmem:s11+$0x0]  }
0xcd: {  	v15 =	vmul.f32 v15, v5;
	v16 =	vld [tilespmem:s10+$0x0]  }
0xce: {  	v14 =	vmul.f32 v14, v7;
	v13 =	vmul.f32 v13, v8  }
0xcf: {  	v12 =	vmul.f32 v12, v1;
	v11 =	vmul.f32 v11, v4  }
0xd0: {  	v13 =	vadd.f32 v13, v14;
	v9 =	vmul.f32 v9, v6;
	v10 =	vmul.f32 v10, v2  }
0xd1: {  	v11 =	vadd.f32 v11, v12  }
0xd2: {  	v9 =	vadd.f32 v9, v15;
	v12 =	vmul.f32 v16, v3;
	(xrf2) =	vadd.scan.msk.f32 $0xffff, v13;
	_ =	sdelay $0x1  }
0xd3: {  	v10 =	vadd.f32 v10, v12  }
0xd4: {  	(xrf2) =	vadd.scan.msk.f32 $0xffff, v9;
	_ =	sdelay $0x2  }
0xd5: {  	(xrf2) =	vadd.scan.msk.f32 $0xffff, v11;
	_ =	sdelay $0x2  }
0xd6: {  	(xrf2) =	vadd.scan.msk.f32 $0xffff, v10  }
0xd7: {  	v9, _, _ =	vpop (xrf2)  }
0xd8: {  	(v2sf) =	vpush v9, $0xF;
	_ =	sdelay $0x1  }
0xd9: {  	v9, _, _ =	vpop (xrf2)  }
0xda: {  	(v2sf) =	vpush v9, $0xF;
	_ =	sdelay $0x1  }
.Ltmp1:
0xdb: {  	v9, _, _ =	vpop (xrf2);
	(pc) =	sbr.rel @p0 .LBB2_5-.Ltmp1, $4  }
0xdc: {  	_ = 	snop  }
0xdd: {  	(v2sf) =	vpush v9, $0xF  }
0xde: {  	v9, _, _ =	vpop (xrf2)  }
0xdf: {  	(v2sf) =	vpush v9, $0xF  }
0xe0: {  	_ =	sdelay $0x7  }
0xe1: {  	s10 =	spop (v2sf)  }
0xe2: {  	s10 =	smul.f32 $1.767766920e-01, s10;
	s11 =	spop (v2sf)  }
0xe3: {  	s11 =	smul.f32 $1.767766920e-01, s11  }
0xe4: {  	v9 =	vmov s10  }
0xe5: {  	v9 =	vmul.f32 $1.442695020e+00, v9;
	v10 =	vmov s11;
	s15 =	spop (v2sf)  }
0xe6: {  	v10 =	vmul.f32 $1.442695020e+00, v10;
	s10 =	smul.f32 $1.767766920e-01, s15  }
0xe7: {  	v9 =	vbroadcast v9, $0x0;
	s18 =	spop (v2sf)  }
0xe8: {  	v10 =	vbroadcast v10, $0x0;
	v11 =	vmov s10;
	s19 =	smul.f32 $1.767766920e-01, s18  }
0xe9: {  	(erf) = vpow2.f32 v9;
	v55 =	vmul.f32 $1.442695020e+00, v11  }
0xea: {  	(erf) = vpow2.f32 v10;
	v56 =	vmov s19  }
0xeb: {  	v9 =	vbroadcast v55, $0x0;
	v10 =	vmul.f32 $1.442695020e+00, v56;
	_ =	sdelay $0x1  }
0xec: {  	v10 =	vbroadcast v10, $0x0;
	(erf) = vpow2.f32 v9;
	_ =	sdelay $0x1  }
0xed: {  	(erf) = vpow2.f32 v10  }
0xee: {  	v57 =	vmov s12;
	_ =	sdelay $0x1  }
0xef: {  	v58 =	vpop (erf)  }
0xf0: {  	v8 =	vmul.f32 v58, v8  }
0xf1: {  	v7 =	vmul.f32 v58, v7;
	v59 =	vpop (erf)  }
0xf2: {  	v9 =	vld.idx.msk [tilespmem:v57+s24+$0x0], $0xffff;
	[tilespmem:s9+$0xFFFFFFF0] =	vst v8;
	v5 =	vmul.f32 v59, v5  }
0xf3: {  	[tilespmem:s9+$0xFFFFFFE0] =	vst v7;
	v6 =	vmul.f32 v59, v6;
	v60 =	vpop (erf)  }
0xf4: {  	[tilespmem:s9+$0x20] =	vst v5;
	v1 =	vmul.f32 v60, v1  }
0xf5: {  	v61 =	vsel vm0, $0x0, v59;
	[tilespmem:s9+$0x30] =	vst v6;
	v4 =	vmul.f32 v60, v4;
	v62 =	vpop (erf)  }
0xf6: {  	[tilespmem:s9+$0xFFFFFFC0] =	vst v1;
	v1 =	vmul.f32 v62, v3;
	v3 =	vsel vm1, v61, v62  }
0xf7: {  	v63 =	vand.u32 $0x7, v9;
	v2 =	vmul.f32 v62, v2;
	[tilespmem:s9+$0xFFFFFFD0] =	vst v4;
	v3 =	vsel vm2, v3, v58  }
0xf8: {  	vm4 =	veq.s32 v63, $0x6;
	[tilespmem:s9+$0x0] =	vst v1;
	v1 =	vsel vm3, v60, v3  }
0xf9: {  	vm5 =	veq.s32 v63, $0x7;
	[tilespmem:s9+$0x10] =	vst v2;
	v2 =	vnsel vm4, $0x0, v1  }
0xfa: {  	vm4 =	veq.s32 v63, $0x0;
	[tilespmem:s1+$0x20] =	vst v2;
	v2 =	vnsel vm5, $0x0, v1  }
0xfb: {  	v3 =	vnsel vm4, $0x0, v1;
	vm4 =	veq.s32 v63, $0x3;
	[tilespmem:s1+$0x30] =	vst v2  }
0xfc: {  	vm5 =	veq.s32 v63, $0x4;
	[tilespmem:s1+$0xFFFFFFC0] =	vst v3;
	v2 =	vnsel vm4, $0x0, v1  }
0xfd: {  	vm4 =	veq.s32 v63, $0x5;
	v3 =	vnsel vm5, $0x0, v1;
	[tilespmem:s1+$0xFFFFFFF0] =	vst v2  }
0xfe: {  	vm5 =	veq.s32 v63, $0x1;
	v2 =	vnsel vm4, $0x0, v1;
	[tilespmem:s1+$0x0] =	vst v3  }
0xff: {  	vm4 =	veq.s32 v63, $0x2;
	v3 =	vnsel vm5, $0x0, v1;
	[tilespmem:s1+$0x10] =	vst v2  }
0x100: {  	v1 =	vnsel vm4, $0x0, v1;
	[tilespmem:s1+$0xFFFFFFD0] =	vst v3  }
0x101: {  	[tilespmem:s1+$0xFFFFFFE0] =	vst v1  }
0x102: {  	[spmem:s3] =	stream.indirect.scatter.add.f32 [tilespmem:s21], [sflag:$0x2], $0x80, s24, s25, $0xb8;
	[tilespmem:$0x1E180] =	vst v63  }
0x103: {  	s2 =	sadd.s32 $0x1, s2;
	_ =	swait.ge [sflag:s22], $0x2800  }
0x104: {  	p0 =	sne.s32 s2, $0x7D;
	[sflag:s22] =	ssyncset.done $0x0  }
.Ltmp2:
0x105: {  	[sflag:s22] =	ssyncadd.s32 $0xFFFFD800;
	(pc) =	sbr.rel @p0 .LBB2_4-.Ltmp2, $4  }
0x106: {  	[spmem:s4] =	stream.indirect.scatter.add.f32 [tilespmem:s23], [sflag:$0x2], $0x80, s29, s25, $0xb8;
	[tilespmem:$0x1E180] =	vst v63  }
0x107: {  	_ =	swait.ge [sflag:s22], $0x2800  }
0x108: {  	[sflag:s22] =	ssyncset.done $0x0  }
0x109: {  	s31 =	sadd.s32 $0x50, s31;
	[sflag:s22] =	ssyncadd.s32 $0xFFFFD800  }
0x10a: {  	s1 =	stileid.u32  }
0x10b: {  	[bflag:$0x0] =	sbarrier.arrive $0xFFFF;
	s1 =	sshll.u32 s1, $0x6  }
0x10c: {  	s2 =	sshrl.u32 s8, $0x3;
	s9 =	rddreg [dreg:$0xc];
	s1 =	sor.u32 $0x1C02, s1  }
0x10d: {  	[hbm:s9], [sflag:s1] =	dma.local [spmem:s2], $0x2800  }
0x10e: {  	s5 =	sadd.s32 $0x1, s5;
	_ =	swait.ge [sflag:s22], $0x2800  }
0x10f: {  	s19 =	sshrl.u32 s16, $0x3;
	p0 =	sne.s32 s5, s20;
	[sflag:s22] =	ssyncset.done $0x0  }
.Ltmp3:
0x110: {  	s31 =	rddreg [dreg:$0xd];
	[sflag:s22] =	ssyncadd.s32 $0xFFFFD800;
	(pc) =	sbr.rel @p0 .LBB2_1-.Ltmp3, $4  }
0x111: {  	[hbm:s31], [sflag:s1] =	dma.local [spmem:s19], $0x500  }
0x112: {  	_ =	swait.ge [sflag:s22], $0x500  }
0x113: {  	[sflag:s22] =	ssyncset.done $0x0  }
0x114: {  	[sflag:s22] =	ssyncadd.s32 $0xFFFFFB00  }
0x115: {  	_ =	sfence.sel $0x180000  }
0x116: {  	[bflag:$0x0] =	sbarrier.arrive $0xFFFF  }
0x117: {  	_ =	strace $0x90000047  }
0x118: {  	s0 =	stileid.u32;
	[bflag:$0x2] =	sbarrier.arrive $0xFFFF  }
0x119: {  	p0 =	sne.s32 s0, $0x0;
	s0 =	rddreg [dreg:$0x4]  }
0x11a: {  	s0 =	sadd.s32 @!p0 $0x100000, s0  }
0x11b: {  	[sflag:s0] =	ssyncadd.tile.s32 @!p0 $0x1;
	_ =	shalt  }
.Lfunc_end2:
_tile_overlayer_lowered:
.L_overlay_start_2:
0x11c: {  	(tag) =	ssettag $0x2  }
0x11d: {  	s0 =	rddreg [dreg:$0x0];
	s2 =	stileid.u32  }
0x11e: {  	s1 =	rddreg [dreg:$0x1];
	p0 =	sne.s32 s2, $0x0  }
0x11f: {  	s3 =	rddreg [dreg:$0x2];
	[bflag:$0x3] =	sbarrier.arrive $0xFFFF;
	s2 =	simm.s32 @!p0 $0x1C02  }
0x120: {  	[timem:s3], [sflag:s2] =	dma.local @!p0 [hbm:s0], s1  }
0x121: {  	s0 =	simm.s32 @!p0 $0x2  }
0x122: {  	_ =	swait.ge @!p0 [sflag:s0], s1  }
0x123: {  	s1 =	ssub.s32 @!p0 $0x0, s1;
	[sflag:s0] =	ssyncset.done @!p0 $0x0  }
0x124: {  	[sflag:s0] =	ssyncadd.s32 @!p0 s1  }
0x125: {  	[bflag:$0x3] =	sbarrier.arrive $0xFFFF  }
0x126: {  	_ =	shalt  }

</sc_bundles>
